<compile_context>
chip_gen: v7x
topology: tpu7x:2x2x1
jax: 0.10.2.dev20260603
libtpu: 0.0.44.dev20260713+nightly
codegen_flags: <defaults>
</compile_context>

<pallas_src>
import functools

import jax
import jax.numpy as jnp
from jax import lax
from jax.experimental import pallas as pl
from jax.experimental.pallas import tpu as pltpu
from jax.experimental.pallas import tpu_sc as plsc

C = 101
D = 1024
M = 512
TOPK = 5
PAD = 8

NC = 2
NS = 16
NW = NC * NS
LANES = 16


CH = 64
KCH = M // CH


def _select_kernel(cnt_ref, rl_ref, fl_ref, gidx_ref, w_ref, ent_ref):
    c = pl.program_id(0)
    k = pl.program_id(1)
    n = cnt_ref[c]

    def _avg_entropy(ref):
        x = ref[0]
        m = jnp.max(x, axis=-1, keepdims=True)
        e = jnp.exp(x - m)
        z = jnp.sum(e, axis=-1, keepdims=True)
        p = e / z
        return -jnp.sum(p * jnp.log(p + 1e-08), axis=-1, keepdims=True)

    base = k * CH
    BIG = 1e30

    @pl.when(base < n)
    def _():
        avg_h = (_avg_entropy(rl_ref) + _avg_entropy(fl_ref)) * 0.5
        row = base + lax.broadcasted_iota(jnp.int32, (CH, 1), 0)
        masked = jnp.where(row < n, avg_h, BIG)
        i0 = lax.broadcasted_iota(jnp.int32, (CH, CH), 0)
        i1 = lax.broadcasted_iota(jnp.int32, (CH, CH), 1)
        eye = (i0 == i1).astype(jnp.float32)
        rowv = lax.dot_general(masked, eye, (((0,), (0,)), ((), ())),
                               precision=lax.Precision.HIGHEST)
        ent_ref[pl.ds(k, 1), :] = rowv

    @pl.when(base >= n)
    def _():
        ent_ref[pl.ds(k, 1), :] = jnp.full((1, CH), BIG, jnp.float32)

    @pl.when(k == KCH - 1)
    def _():
        masked = ent_ref[...]
        row = (lax.broadcasted_iota(jnp.int32, (KCH, CH), 0) * CH
               + lax.broadcasted_iota(jnp.int32, (KCH, CH), 1))
        ids = []
        for _ in range(TOPK):
            mv = jnp.min(masked)
            im = jnp.min(jnp.where(masked == mv, row, M))
            ids.append(im)
            masked = jnp.where(row == im, BIG, masked)

        j8 = lax.broadcasted_iota(jnp.int32, (1, 1, PAD), 2)
        top = jnp.zeros((1, 1, PAD), jnp.int32)
        for j, s in enumerate(ids):
            top = jnp.where(j8 == j, s, top)

        use_top = n > TOPK
        local = jnp.where(use_top, top, j8)
        nf = jnp.maximum(n, 1).astype(jnp.float32)
        jl = lax.broadcasted_iota(jnp.int32, (1, 1, PAD * LANES), 2) // LANES
        w_mean = jnp.where(jl < n, 1.0 / nf, 0.0)
        w_top = jnp.where(jl < TOPK, 1.0 / TOPK, 0.0)

        gidx_ref[...] = c * M + local
        w_ref[...] = jnp.where(use_top, w_top, w_mean)


def _select(rgb_log, flow_log, count):
    def _chunk_map(c, k, cnt):
        last = jnp.maximum((cnt[c] + CH - 1) // CH - 1, 0)
        return (c, jnp.minimum(k, last), 0)

    grid_spec = pltpu.PrefetchScalarGridSpec(
        num_scalar_prefetch=1,
        grid=(C, KCH),
        in_specs=[
            pl.BlockSpec((1, CH, C), _chunk_map),
            pl.BlockSpec((1, CH, C), _chunk_map),
        ],
        out_specs=[
            pl.BlockSpec((1, 1, PAD), lambda c, k, cnt: (c, 0, 0)),
            pl.BlockSpec((1, 1, PAD * LANES), lambda c, k, cnt: (c, 0, 0)),
        ],
        scratch_shapes=[pltpu.VMEM((KCH, CH), jnp.float32)],
    )
    gidx, w = pl.pallas_call(
        _select_kernel,
        grid_spec=grid_spec,
        out_shape=[
            jax.ShapeDtypeStruct((C, 1, PAD), jnp.int32),
            jax.ShapeDtypeStruct((C, 1, PAD * LANES), jnp.float32),
        ],
    )(count, rgb_log, flow_log)
    return gidx.reshape(C, PAD), w.reshape(C, PAD * LANES)


def _gather_body(rgb_hbm, flow_hbm, gidx_hbm, w_hbm, rgb_out, flow_out,
                 idx_v, w_v, rows_r, rows_f, out_v, sem_r, sem_f):
    wid = lax.axis_index("s") * NC + lax.axis_index("c")

    def _weighted_sum(rows, out_hbm, c):
        wvec = [w_v[pl.ds(j * LANES, LANES)] for j in range(PAD)]

        def chunk(k, _):
            acc = jnp.zeros((LANES,), jnp.float32)
            for j in range(PAD):
                acc = acc + wvec[j] * rows[j, pl.ds(k * LANES, LANES)]
            out_v[pl.ds(k * LANES, LANES)] = acc
            return 0

        lax.fori_loop(0, D // LANES, chunk, 0, unroll=4)
        pltpu.sync_copy(out_v, out_hbm.at[c])

    def per_class(t, _):
        c = wid + NW * t

        @pl.when(c < C)
        def _():
            pltpu.sync_copy(gidx_hbm.at[c], idx_v)
            pltpu.sync_copy(w_hbm.at[c], w_v)
            cp_r = pltpu.async_copy(rgb_hbm.at[idx_v], rows_r, sem_r)
            cp_f = pltpu.async_copy(flow_hbm.at[idx_v], rows_f, sem_f)
            cp_r.wait()
            _weighted_sum(rows_r, rgb_out, c)
            cp_f.wait()
            _weighted_sum(rows_f, flow_out, c)

        return 0

    lax.fori_loop(0, (C + NW - 1) // NW, per_class, 0)


def _gather_mean(rgb_flat, flow_flat, gidx, w):
    mesh = plsc.VectorSubcoreMesh(core_axis_name="c", subcore_axis_name="s")
    return pl.kernel(
        _gather_body,
        out_type=[
            jax.ShapeDtypeStruct((C, D), jnp.float32),
            jax.ShapeDtypeStruct((C, D), jnp.float32),
        ],
        mesh=mesh,
        scratch_types=[
            pltpu.VMEM((PAD,), jnp.int32),
            pltpu.VMEM((PAD * LANES,), jnp.float32),
            pltpu.VMEM((PAD, D), jnp.float32),
            pltpu.VMEM((PAD, D), jnp.float32),
            pltpu.VMEM((D,), jnp.float32),
            pltpu.SemaphoreType.DMA,
            pltpu.SemaphoreType.DMA,
        ],
    )(rgb_flat, flow_flat, gidx, w)


def kernel(rgb, flow, rgb_log, flow_log, count, head):
    del head
    count = count.astype(jnp.int32)
    gidx, w = _select(rgb_log, flow_log, count)
    rgb_p, flow_p = _gather_mean(
        rgb.reshape(C * M, D), flow.reshape(C * M, D), gidx, w)
    return (rgb_p, flow_p)

# --- scband reference (transcript-rebuilt; emitter-appended) ---
"""Pipeline reference for scband-teacher-memory-bank-82119774699993 (READ-ONLY COPY).

The authoritative reference and input builder live on the scoring server;
editing this copy changes nothing except your own understanding.
"""

import jax, jax.numpy as jnp
import numpy as np

C = 101
D = 1024
M = 512
TOPK = 5

def _entropy_from_logits(logits):
    p = jax.nn.softmax(logits, axis=-1)
    return -(p * jnp.log(p + 1e-08)).sum(axis=-1)

def setup_inputs(seed: int = 0) -> dict:
    key = jax.random.key(seed)
    k1, k2, k3, k4, k5, k6 = jax.random.split(key, 6)
    return {
        "rgb": jax.random.normal(k1, (C, M, D), dtype=jnp.float32),
        "flow": jax.random.normal(k2, (C, M, D), dtype=jnp.float32),
        "rgb_log": jax.random.normal(k3, (C, M, C), dtype=jnp.float32),
        "flow_log": jax.random.normal(k4, (C, M, C), dtype=jnp.float32),
        "count": jax.random.randint(k5, (C,), 0, 513, dtype=jnp.int64),
        "head": jax.random.randint(k6, (C,), 0, 512, dtype=jnp.int64),
    }

def reference(rgb, flow, rgb_log, flow_log, count, head):
    ar = jnp.arange(M)

    def _per_class(re, fe, rl, fl, n, h):
        use_rot = n >= M
        idx = jnp.where(use_rot, (h + ar) % M, ar)
        re2 = re[idx]
        fe2 = fe[idx]
        rl2 = rl[idx]
        fl2 = fl[idx]
        valid = ar < n
        denom = jnp.maximum(n, 1).astype(jnp.float32)
        mean_r = (re2 * valid[:, None]).sum(axis=0) / denom
        mean_f = (fe2 * valid[:, None]).sum(axis=0) / denom
        h_r = _entropy_from_logits(rl2)
        h_o = _entropy_from_logits(fl2)
        avg_h = (h_r + h_o) * 0.5
        masked_h = jnp.where(valid, avg_h, jnp.inf)
        _, ind = jax.lax.top_k(-masked_h, TOPK)  # smallest entropy
        top_r = re2[ind].mean(axis=0)
        top_f = fe2[ind].mean(axis=0)
        zero = jnp.zeros((D,), dtype=jnp.float32)
        out_r = jnp.where(n == 0, zero, jnp.where(n <= TOPK, mean_r, top_r))
        out_f = jnp.where(n == 0, zero, jnp.where(n <= TOPK, mean_f, top_f))
        return out_r, out_f

    rgb_p, flow_p = jax.vmap(_per_class)(rgb, flow, rgb_log, flow_log, count, head)
    return (rgb_p, flow_p)

if __name__ == "__main__":
    import jax
    _d = setup_inputs()
    print(jax.jit(kernel)(*tuple(_d.values())))

</pallas_src>

<mosaic_0001>
#map = affine_map<(d0, d1) -> (0, 0)>
module attributes {stable_mosaic.version = 14 : i64} {
  func.func @_gather_body(%arg0: i32, %arg1: i32, %arg2: memref<51712x1024xf32, #tpu.memory_space<hbm>>, %arg3: memref<51712x1024xf32, #tpu.memory_space<hbm>>, %arg4: memref<101x8xi32, #tpu.memory_space<hbm>>, %arg5: memref<101x128xf32, #tpu.memory_space<hbm>>, %arg6: memref<101x1024xf32, #tpu.memory_space<hbm>>, %arg7: memref<101x1024xf32, #tpu.memory_space<hbm>>, %arg8: memref<8xi32, #tpu.memory_space<vmem>>, %arg9: memref<128xf32, #tpu.memory_space<vmem>>, %arg10: memref<8x1024xf32, #tpu.memory_space<vmem>>, %arg11: memref<8x1024xf32, #tpu.memory_space<vmem>>, %arg12: memref<1024xf32, #tpu.memory_space<vmem>>, %arg13: memref<!tpu.dma_semaphore, #tpu.memory_space<semaphore_mem>>, %arg14: memref<!tpu.dma_semaphore, #tpu.memory_space<semaphore_mem>>) attributes {dimension_semantics = [#tpu.dimension_semantics<core_parallel>, #tpu.dimension_semantics<subcore_parallel>], iteration_bounds = array<i64: 2, 16>, scalar_prefetch = 0 : i64, scratch_operands = 7 : i64, tpu.core_type = #tpu.core_type<sc_vector_subcore>, window_params = [{transform_indices = #map}, {transform_indices = #map}, {transform_indices = #map}, {transform_indices = #map}, {transform_indices = #map}, {transform_indices = #map}]} {
    %mul3A = arith.constant 2 : i32
    %mul3A_0 = arith.muli %arg1, %mul3A : i32
    %add3A = arith.addi %mul3A_0, %arg0 : i32
    %scan3A = arith.constant 0 : i32
    %scan3A_1 = arith.constant 0 : i32
    %scan3A_2 = arith.constant 4 : i32
    %scan3A_3 = arith.addi %scan3A_1, %scan3A_2 : i32
    %scan3A_4 = arith.constant 1 : i32
    %scan3A_5 = scf.for %scan3A_7 = %scan3A_1 to %scan3A_3 step %scan3A_4 iter_args(%scan3A_8 = %scan3A) -> (i32)  : i32 {
      %mul3A_9 = arith.constant 32 : i32
      %mul3A_10 = arith.muli %mul3A_9, %scan3A_7 : i32
      %add3A_11 = arith.addi %add3A, %mul3A_10 : i32
      %lt3A = arith.constant 101 : i32
      %lt3A_12 = arith.cmpi slt, %add3A_11, %lt3A : i32
      %convert_element_type3A = arith.extui %lt3A_12 : i1 to i32
      %cond3A = arith.constant 0 : i32
      %cond3A_13 = arith.cmpi ne, %convert_element_type3A, %cond3A : i32
      scf.if %cond3A_13 {
        "tpu.region"() ({
          %run_scoped3A = tpu.sem_alloc : memref<!tpu.dma_semaphore, #tpu.memory_space<semaphore_mem>>
          %dma_start3A_86 = arith.constant 0 : i32
          %dma_start3A_87 = tpu.memref_slice %arg4[%add3A_11, %dma_start3A_86] : memref<101x8xi32, #tpu.memory_space<hbm>> -> memref<1x8xi32, #tpu.memory_space<hbm>>
          %dma_start3A_88 = tpu.memref_squeeze %dma_start3A_87 : memref<1x8xi32, #tpu.memory_space<hbm>> -> memref<8xi32, #tpu.memory_space<hbm>>
          %dma_start3A_89 = arith.constant 0 : i32
          %dma_start3A_90 = tpu.memref_slice %arg4[%add3A_11, %dma_start3A_89] : memref<101x8xi32, #tpu.memory_space<hbm>> -> memref<1x8xi32, #tpu.memory_space<hbm>>
          %dma_start3A_91 = tpu.memref_squeeze %dma_start3A_90 : memref<1x8xi32, #tpu.memory_space<hbm>> -> memref<8xi32, #tpu.memory_space<hbm>>
          tpu.enqueue_dma source(%dma_start3A_91 : memref<8xi32, #tpu.memory_space<hbm>>) target(%arg8 : memref<8xi32, #tpu.memory_space<vmem>>) target_semaphore(%run_scoped3A : memref<!tpu.dma_semaphore, #tpu.memory_space<semaphore_mem>>)
          %dma_wait3A_92 = arith.constant 0 : i32
          %dma_wait3A_93 = tpu.memref_slice %arg4[%add3A_11, %dma_wait3A_92] : memref<101x8xi32, #tpu.memory_space<hbm>> -> memref<1x8xi32, #tpu.memory_space<hbm>>
          %dma_wait3A_94 = tpu.memref_squeeze %dma_wait3A_93 : memref<1x8xi32, #tpu.memory_space<hbm>> -> memref<8xi32, #tpu.memory_space<hbm>>
          %dma_wait3A_95 = arith.constant 0 : i32
          %dma_wait3A_96 = tpu.memref_slice %arg4[%add3A_11, %dma_wait3A_95] : memref<101x8xi32, #tpu.memory_space<hbm>> -> memref<1x8xi32, #tpu.memory_space<hbm>>
          %dma_wait3A_97 = tpu.memref_squeeze %dma_wait3A_96 : memref<1x8xi32, #tpu.memory_space<hbm>> -> memref<8xi32, #tpu.memory_space<hbm>>
          tpu.wait_dma2 semaphore(%run_scoped3A : memref<!tpu.dma_semaphore, #tpu.memory_space<semaphore_mem>>) src(%dma_wait3A_97 : memref<8xi32, #tpu.memory_space<hbm>>) dst(%arg8 : memref<8xi32, #tpu.memory_space<vmem>>)
          tpu.yield
        }) : () -> ()
        "tpu.region"() ({
          %run_scoped3A = tpu.sem_alloc : memref<!tpu.dma_semaphore, #tpu.memory_space<semaphore_mem>>
          %dma_start3A_86 = arith.constant 0 : i32
          %dma_start3A_87 = tpu.memref_slice %arg5[%add3A_11, %dma_start3A_86] : memref<101x128xf32, #tpu.memory_space<hbm>> -> memref<1x128xf32, #tpu.memory_space<hbm>>
          %dma_start3A_88 = tpu.memref_squeeze %dma_start3A_87 : memref<1x128xf32, #tpu.memory_space<hbm>> -> memref<128xf32, #tpu.memory_space<hbm>>
          %dma_start3A_89 = arith.constant 0 : i32
          %dma_start3A_90 = tpu.memref_slice %arg5[%add3A_11, %dma_start3A_89] : memref<101x128xf32, #tpu.memory_space<hbm>> -> memref<1x128xf32, #tpu.memory_space<hbm>>
          %dma_start3A_91 = tpu.memref_squeeze %dma_start3A_90 : memref<1x128xf32, #tpu.memory_space<hbm>> -> memref<128xf32, #tpu.memory_space<hbm>>
          tpu.enqueue_dma source(%dma_start3A_91 : memref<128xf32, #tpu.memory_space<hbm>>) target(%arg9 : memref<128xf32, #tpu.memory_space<vmem>>) target_semaphore(%run_scoped3A : memref<!tpu.dma_semaphore, #tpu.memory_space<semaphore_mem>>)
          %dma_wait3A_92 = arith.constant 0 : i32
          %dma_wait3A_93 = tpu.memref_slice %arg5[%add3A_11, %dma_wait3A_92] : memref<101x128xf32, #tpu.memory_space<hbm>> -> memref<1x128xf32, #tpu.memory_space<hbm>>
          %dma_wait3A_94 = tpu.memref_squeeze %dma_wait3A_93 : memref<1x128xf32, #tpu.memory_space<hbm>> -> memref<128xf32, #tpu.memory_space<hbm>>
          %dma_wait3A_95 = arith.constant 0 : i32
          %dma_wait3A_96 = tpu.memref_slice %arg5[%add3A_11, %dma_wait3A_95] : memref<101x128xf32, #tpu.memory_space<hbm>> -> memref<1x128xf32, #tpu.memory_space<hbm>>
          %dma_wait3A_97 = tpu.memref_squeeze %dma_wait3A_96 : memref<1x128xf32, #tpu.memory_space<hbm>> -> memref<128xf32, #tpu.memory_space<hbm>>
          tpu.wait_dma2 semaphore(%run_scoped3A : memref<!tpu.dma_semaphore, #tpu.memory_space<semaphore_mem>>) src(%dma_wait3A_97 : memref<128xf32, #tpu.memory_space<hbm>>) dst(%arg9 : memref<128xf32, #tpu.memory_space<vmem>>)
          tpu.yield
        }) : () -> ()
        %dma_start3A = arith.constant 0 : i32
        %dma_start3A_15 = arith.constant 0 : i32
        %dma_start3A_16 = tpu.memref_slice %arg2[%dma_start3A, %dma_start3A_15] : memref<51712x1024xf32, #tpu.memory_space<hbm>> -> memref<51712x1024xf32, #tpu.memory_space<hbm>>
        tpu.enqueue_indirect_dma source(%dma_start3A_16 : memref<51712x1024xf32, #tpu.memory_space<hbm>>) target(%arg10 : memref<8x1024xf32, #tpu.memory_space<vmem>>) offsets(%arg8 : memref<8xi32, #tpu.memory_space<vmem>>) semaphore(%arg13 : memref<!tpu.dma_semaphore, #tpu.memory_space<semaphore_mem>>)
        %dma_start3A_17 = arith.constant 0 : i32
        %dma_start3A_18 = arith.constant 0 : i32
        %dma_start3A_19 = tpu.memref_slice %arg3[%dma_start3A_17, %dma_start3A_18] : memref<51712x1024xf32, #tpu.memory_space<hbm>> -> memref<51712x1024xf32, #tpu.memory_space<hbm>>
        tpu.enqueue_indirect_dma source(%dma_start3A_19 : memref<51712x1024xf32, #tpu.memory_space<hbm>>) target(%arg11 : memref<8x1024xf32, #tpu.memory_space<vmem>>) offsets(%arg8 : memref<8xi32, #tpu.memory_space<vmem>>) semaphore(%arg14 : memref<!tpu.dma_semaphore, #tpu.memory_space<semaphore_mem>>)
        %dma_wait3A = arith.constant 0 : i32
        %dma_wait3A_20 = arith.constant 0 : i32
        %dma_wait3A_21 = tpu.memref_slice %arg2[%dma_wait3A, %dma_wait3A_20] : memref<51712x1024xf32, #tpu.memory_space<hbm>> -> memref<51712x1024xf32, #tpu.memory_space<hbm>>
        tpu.wait_indirect_dma semaphore(%arg13 : memref<!tpu.dma_semaphore, #tpu.memory_space<semaphore_mem>>) src(%dma_wait3A_21 : memref<51712x1024xf32, #tpu.memory_space<hbm>>) dst(%arg10 : memref<8x1024xf32, #tpu.memory_space<vmem>>)
        %get3A = arith.constant 0 : index
        %get3A_22 = tpu.vector_load %arg9[%get3A] {strides = array<i32>} : memref<128xf32, #tpu.memory_space<vmem>>, vector<16xf32>,
        %get3A_23 = vector.shape_cast %get3A_22 : vector<16xf32> to vector<16xf32>
        %get3A_24 = arith.constant 16 : index
        %get3A_25 = tpu.vector_load %arg9[%get3A_24] {strides = array<i32>} : memref<128xf32, #tpu.memory_space<vmem>>, vector<16xf32>,
        %get3A_26 = vector.shape_cast %get3A_25 : vector<16xf32> to vector<16xf32>
        %get3A_27 = arith.constant 32 : index
        %get3A_28 = tpu.vector_load %arg9[%get3A_27] {strides = array<i32>} : memref<128xf32, #tpu.memory_space<vmem>>, vector<16xf32>,
        %get3A_29 = vector.shape_cast %get3A_28 : vector<16xf32> to vector<16xf32>
        %get3A_30 = arith.constant 48 : index
        %get3A_31 = tpu.vector_load %arg9[%get3A_30] {strides = array<i32>} : memref<128xf32, #tpu.memory_space<vmem>>, vector<16xf32>,
        %get3A_32 = vector.shape_cast %get3A_31 : vector<16xf32> to vector<16xf32>
        %get3A_33 = arith.constant 64 : index
        %get3A_34 = tpu.vector_load %arg9[%get3A_33] {strides = array<i32>} : memref<128xf32, #tpu.memory_space<vmem>>, vector<16xf32>,
        %get3A_35 = vector.shape_cast %get3A_34 : vector<16xf32> to vector<16xf32>
        %get3A_36 = arith.constant 80 : index
        %get3A_37 = tpu.vector_load %arg9[%get3A_36] {strides = array<i32>} : memref<128xf32, #tpu.memory_space<vmem>>, vector<16xf32>,
        %get3A_38 = vector.shape_cast %get3A_37 : vector<16xf32> to vector<16xf32>
        %get3A_39 = arith.constant 96 : index
        %get3A_40 = tpu.vector_load %arg9[%get3A_39] {strides = array<i32>} : memref<128xf32, #tpu.memory_space<vmem>>, vector<16xf32>,
        %get3A_41 = vector.shape_cast %get3A_40 : vector<16xf32> to vector<16xf32>
        %get3A_42 = arith.constant 112 : index
        %get3A_43 = tpu.vector_load %arg9[%get3A_42] {strides = array<i32>} : memref<128xf32, #tpu.memory_space<vmem>>, vector<16xf32>,
        %get3A_44 = vector.shape_cast %get3A_43 : vector<16xf32> to vector<16xf32>
        %scan3A_45 = arith.constant 0 : i32
        %scan3A_46 = arith.constant 0 : i32
        %scan3A_47 = arith.constant 64 : i32
        %scan3A_48 = arith.addi %scan3A_46, %scan3A_47 : i32
        %scan3A_49 = arith.constant 4 : i32
        %scan3A_50 = scf.for %scan3A_86 = %scan3A_46 to %scan3A_48 step %scan3A_49 iter_args(%scan3A_87 = %scan3A_45) -> (i32)  : i32 {
          %broadcast_in_dim3A = arith.constant 0.000000e+00 : f32
          %broadcast_in_dim3A_88 = vector.broadcast %broadcast_in_dim3A : f32 to vector<16xf32>
          %mul3A_89 = arith.constant 16 : i32
          %mul3A_90 = arith.muli %scan3A_86, %mul3A_89 : i32
          %get3A_91 = arith.constant 0 : i32
          %get3A_92 = arith.index_cast %get3A_91 : i32 to index
          %get3A_93 = arith.index_cast %mul3A_90 : i32 to index
          %get3A_94 = tpu.vector_load %arg10[%get3A_92, %get3A_93] {strides = array<i32>} : memref<8x1024xf32, #tpu.memory_space<vmem>>, vector<1x16xf32>,
          %get3A_95 = vector.shape_cast %get3A_94 : vector<1x16xf32> to vector<16xf32>
          %mul3A_96 = arith.mulf %get3A_23, %get3A_95 : vector<16xf32>
          %add3A_97 = arith.addf %broadcast_in_dim3A_88, %mul3A_96 : vector<16xf32>
          %mul3A_98 = arith.constant 16 : i32
          %mul3A_99 = arith.muli %scan3A_86, %mul3A_98 : i32
          %get3A_100 = arith.constant 1 : i32
          %get3A_101 = arith.index_cast %get3A_100 : i32 to index
          %get3A_102 = arith.index_cast %mul3A_99 : i32 to index
          %get3A_103 = tpu.vector_load %arg10[%get3A_101, %get3A_102] {strides = array<i32>} : memref<8x1024xf32, #tpu.memory_space<vmem>>, vector<1x16xf32>,
          %get3A_104 = vector.shape_cast %get3A_103 : vector<1x16xf32> to vector<16xf32>
          %mul3A_105 = arith.mulf %get3A_26, %get3A_104 : vector<16xf32>
          %add3A_106 = arith.addf %add3A_97, %mul3A_105 : vector<16xf32>
          %mul3A_107 = arith.constant 16 : i32
          %mul3A_108 = arith.muli %scan3A_86, %mul3A_107 : i32
          %get3A_109 = arith.constant 2 : i32
          %get3A_110 = arith.index_cast %get3A_109 : i32 to index
          %get3A_111 = arith.index_cast %mul3A_108 : i32 to index
          %get3A_112 = tpu.vector_load %arg10[%get3A_110, %get3A_111] {strides = array<i32>} : memref<8x1024xf32, #tpu.memory_space<vmem>>, vector<1x16xf32>,
          %get3A_113 = vector.shape_cast %get3A_112 : vector<1x16xf32> to vector<16xf32>
          %mul3A_114 = arith.mulf %get3A_29, %get3A_113 : vector<16xf32>
          %add3A_115 = arith.addf %add3A_106, %mul3A_114 : vector<16xf32>
          %mul3A_116 = arith.constant 16 : i32
          %mul3A_117 = arith.muli %scan3A_86, %mul3A_116 : i32
          %get3A_118 = arith.constant 3 : i32
          %get3A_119 = arith.index_cast %get3A_118 : i32 to index
          %get3A_120 = arith.index_cast %mul3A_117 : i32 to index
          %get3A_121 = tpu.vector_load %arg10[%get3A_119, %get3A_120] {strides = array<i32>} : memref<8x1024xf32, #tpu.memory_space<vmem>>, vector<1x16xf32>,
          %get3A_122 = vector.shape_cast %get3A_121 : vector<1x16xf32> to vector<16xf32>
          %mul3A_123 = arith.mulf %get3A_32, %get3A_122 : vector<16xf32>
          %add3A_124 = arith.addf %add3A_115, %mul3A_123 : vector<16xf32>
          %mul3A_125 = arith.constant 16 : i32
          %mul3A_126 = arith.muli %scan3A_86, %mul3A_125 : i32
          %get3A_127 = arith.constant 4 : i32
          %get3A_128 = arith.index_cast %get3A_127 : i32 to index
          %get3A_129 = arith.index_cast %mul3A_126 : i32 to index
          %get3A_130 = tpu.vector_load %arg10[%get3A_128, %get3A_129] {strides = array<i32>} : memref<8x1024xf32, #tpu.memory_space<vmem>>, vector<1x16xf32>,
          %get3A_131 = vector.shape_cast %get3A_130 : vector<1x16xf32> to vector<16xf32>
          %mul3A_132 = arith.mulf %get3A_35, %get3A_131 : vector<16xf32>
          %add3A_133 = arith.addf %add3A_124, %mul3A_132 : vector<16xf32>
          %mul3A_134 = arith.constant 16 : i32
          %mul3A_135 = arith.muli %scan3A_86, %mul3A_134 : i32
          %get3A_136 = arith.constant 5 : i32
          %get3A_137 = arith.index_cast %get3A_136 : i32 to index
          %get3A_138 = arith.index_cast %mul3A_135 : i32 to index
          %get3A_139 = tpu.vector_load %arg10[%get3A_137, %get3A_138] {strides = array<i32>} : memref<8x1024xf32, #tpu.memory_space<vmem>>, vector<1x16xf32>,
          %get3A_140 = vector.shape_cast %get3A_139 : vector<1x16xf32> to vector<16xf32>
          %mul3A_141 = arith.mulf %get3A_38, %get3A_140 : vector<16xf32>
          %add3A_142 = arith.addf %add3A_133, %mul3A_141 : vector<16xf32>
          %mul3A_143 = arith.constant 16 : i32
          %mul3A_144 = arith.muli %scan3A_86, %mul3A_143 : i32
          %get3A_145 = arith.constant 6 : i32
          %get3A_146 = arith.index_cast %get3A_145 : i32 to index
          %get3A_147 = arith.index_cast %mul3A_144 : i32 to index
          %get3A_148 = tpu.vector_load %arg10[%get3A_146, %get3A_147] {strides = array<i32>} : memref<8x1024xf32, #tpu.memory_space<vmem>>, vector<1x16xf32>,
          %get3A_149 = vector.shape_cast %get3A_148 : vector<1x16xf32> to vector<16xf32>
          %mul3A_150 = arith.mulf %get3A_41, %get3A_149 : vector<16xf32>
          %add3A_151 = arith.addf %add3A_142, %mul3A_150 : vector<16xf32>
          %mul3A_152 = arith.constant 16 : i32
          %mul3A_153 = arith.muli %scan3A_86, %mul3A_152 : i32
          %get3A_154 = arith.constant 7 : i32
          %get3A_155 = arith.index_cast %get3A_154 : i32 to index
          %get3A_156 = arith.index_cast %mul3A_153 : i32 to index
          %get3A_157 = tpu.vector_load %arg10[%get3A_155, %get3A_156] {strides = array<i32>} : memref<8x1024xf32, #tpu.memory_space<vmem>>, vector<1x16xf32>,
          %get3A_158 = vector.shape_cast %get3A_157 : vector<1x16xf32> to vector<16xf32>
          %mul3A_159 = arith.mulf %get3A_44, %get3A_158 : vector<16xf32>
          %add3A_160 = arith.addf %add3A_151, %mul3A_159 : vector<16xf32>
          %mul3A_161 = arith.constant 16 : i32
          %mul3A_162 = arith.muli %scan3A_86, %mul3A_161 : i32
          %swap3A = arith.index_cast %mul3A_162 : i32 to index
          %swap3A_163 = tpu.vector_load %arg12[%swap3A] {strides = array<i32>} : memref<1024xf32, #tpu.memory_space<vmem>>, vector<16xf32>,
          %swap3A_164 = vector.shape_cast %swap3A_163 : vector<16xf32> to vector<16xf32>
          %swap3A_165 = vector.shape_cast %add3A_160 : vector<16xf32> to vector<16xf32>
          tpu.vector_store %arg12[%swap3A], %swap3A_165 {strides = array<i32>} : memref<1024xf32, #tpu.memory_space<vmem>>, vector<16xf32>,
          %scan3A_166 = arith.constant 0 : i32
          %scan3A_167 = arith.constant 1 : i32
          %scan3A_168 = arith.addi %scan3A_86, %scan3A_167 : i32
          %broadcast_in_dim3A_169 = arith.constant 0.000000e+00 : f32
          %broadcast_in_dim3A_170 = vector.broadcast %broadcast_in_dim3A_169 : f32 to vector<16xf32>
          %mul3A_171 = arith.constant 16 : i32
          %mul3A_172 = arith.muli %scan3A_168, %mul3A_171 : i32
          %get3A_173 = arith.constant 0 : i32
          %get3A_174 = arith.index_cast %get3A_173 : i32 to index
          %get3A_175 = arith.index_cast %mul3A_172 : i32 to index
          %get3A_176 = tpu.vector_load %arg10[%get3A_174, %get3A_175] {strides = array<i32>} : memref<8x1024xf32, #tpu.memory_space<vmem>>, vector<1x16xf32>,
          %get3A_177 = vector.shape_cast %get3A_176 : vector<1x16xf32> to vector<16xf32>
          %mul3A_178 = arith.mulf %get3A_23, %get3A_177 : vector<16xf32>
          %add3A_179 = arith.addf %broadcast_in_dim3A_170, %mul3A_178 : vector<16xf32>
          %mul3A_180 = arith.constant 16 : i32
          %mul3A_181 = arith.muli %scan3A_168, %mul3A_180 : i32
          %get3A_182 = arith.constant 1 : i32
          %get3A_183 = arith.index_cast %get3A_182 : i32 to index
          %get3A_184 = arith.index_cast %mul3A_181 : i32 to index
          %get3A_185 = tpu.vector_load %arg10[%get3A_183, %get3A_184] {strides = array<i32>} : memref<8x1024xf32, #tpu.memory_space<vmem>>, vector<1x16xf32>,
          %get3A_186 = vector.shape_cast %get3A_185 : vector<1x16xf32> to vector<16xf32>
          %mul3A_187 = arith.mulf %get3A_26, %get3A_186 : vector<16xf32>
          %add3A_188 = arith.addf %add3A_179, %mul3A_187 : vector<16xf32>
          %mul3A_189 = arith.constant 16 : i32
          %mul3A_190 = arith.muli %scan3A_168, %mul3A_189 : i32
          %get3A_191 = arith.constant 2 : i32
          %get3A_192 = arith.index_cast %get3A_191 : i32 to index
          %get3A_193 = arith.index_cast %mul3A_190 : i32 to index
          %get3A_194 = tpu.vector_load %arg10[%get3A_192, %get3A_193] {strides = array<i32>} : memref<8x1024xf32, #tpu.memory_space<vmem>>, vector<1x16xf32>,
          %get3A_195 = vector.shape_cast %get3A_194 : vector<1x16xf32> to vector<16xf32>
          %mul3A_196 = arith.mulf %get3A_29, %get3A_195 : vector<16xf32>
          %add3A_197 = arith.addf %add3A_188, %mul3A_196 : vector<16xf32>
          %mul3A_198 = arith.constant 16 : i32
          %mul3A_199 = arith.muli %scan3A_168, %mul3A_198 : i32
          %get3A_200 = arith.constant 3 : i32
          %get3A_201 = arith.index_cast %get3A_200 : i32 to index
          %get3A_202 = arith.index_cast %mul3A_199 : i32 to index
          %get3A_203 = tpu.vector_load %arg10[%get3A_201, %get3A_202] {strides = array<i32>} : memref<8x1024xf32, #tpu.memory_space<vmem>>, vector<1x16xf32>,
          %get3A_204 = vector.shape_cast %get3A_203 : vector<1x16xf32> to vector<16xf32>
          %mul3A_205 = arith.mulf %get3A_32, %get3A_204 : vector<16xf32>
          %add3A_206 = arith.addf %add3A_197, %mul3A_205 : vector<16xf32>
          %mul3A_207 = arith.constant 16 : i32
          %mul3A_208 = arith.muli %scan3A_168, %mul3A_207 : i32
          %get3A_209 = arith.constant 4 : i32
          %get3A_210 = arith.index_cast %get3A_209 : i32 to index
          %get3A_211 = arith.index_cast %mul3A_208 : i32 to index
          %get3A_212 = tpu.vector_load %arg10[%get3A_210, %get3A_211] {strides = array<i32>} : memref<8x1024xf32, #tpu.memory_space<vmem>>, vector<1x16xf32>,
          %get3A_213 = vector.shape_cast %get3A_212 : vector<1x16xf32> to vector<16xf32>
          %mul3A_214 = arith.mulf %get3A_35, %get3A_213 : vector<16xf32>
          %add3A_215 = arith.addf %add3A_206, %mul3A_214 : vector<16xf32>
          %mul3A_216 = arith.constant 16 : i32
          %mul3A_217 = arith.muli %scan3A_168, %mul3A_216 : i32
          %get3A_218 = arith.constant 5 : i32
          %get3A_219 = arith.index_cast %get3A_218 : i32 to index
          %get3A_220 = arith.index_cast %mul3A_217 : i32 to index
          %get3A_221 = tpu.vector_load %arg10[%get3A_219, %get3A_220] {strides = array<i32>} : memref<8x1024xf32, #tpu.memory_space<vmem>>, vector<1x16xf32>,
          %get3A_222 = vector.shape_cast %get3A_221 : vector<1x16xf32> to vector<16xf32>
          %mul3A_223 = arith.mulf %get3A_38, %get3A_222 : vector<16xf32>
          %add3A_224 = arith.addf %add3A_215, %mul3A_223 : vector<16xf32>
          %mul3A_225 = arith.constant 16 : i32
          %mul3A_226 = arith.muli %scan3A_168, %mul3A_225 : i32
          %get3A_227 = arith.constant 6 : i32
          %get3A_228 = arith.index_cast %get3A_227 : i32 to index
          %get3A_229 = arith.index_cast %mul3A_226 : i32 to index
          %get3A_230 = tpu.vector_load %arg10[%get3A_228, %get3A_229] {strides = array<i32>} : memref<8x1024xf32, #tpu.memory_space<vmem>>, vector<1x16xf32>,
          %get3A_231 = vector.shape_cast %get3A_230 : vector<1x16xf32> to vector<16xf32>
          %mul3A_232 = arith.mulf %get3A_41, %get3A_231 : vector<16xf32>
          %add3A_233 = arith.addf %add3A_224, %mul3A_232 : vector<16xf32>
          %mul3A_234 = arith.constant 16 : i32
          %mul3A_235 = arith.muli %scan3A_168, %mul3A_234 : i32
          %get3A_236 = arith.constant 7 : i32
          %get3A_237 = arith.index_cast %get3A_236 : i32 to index
          %get3A_238 = arith.index_cast %mul3A_235 : i32 to index
          %get3A_239 = tpu.vector_load %arg10[%get3A_237, %get3A_238] {strides = array<i32>} : memref<8x1024xf32, #tpu.memory_space<vmem>>, vector<1x16xf32>,
          %get3A_240 = vector.shape_cast %get3A_239 : vector<1x16xf32> to vector<16xf32>
          %mul3A_241 = arith.mulf %get3A_44, %get3A_240 : vector<16xf32>
          %add3A_242 = arith.addf %add3A_233, %mul3A_241 : vector<16xf32>
          %mul3A_243 = arith.constant 16 : i32
          %mul3A_244 = arith.muli %scan3A_168, %mul3A_243 : i32
          %swap3A_245 = arith.index_cast %mul3A_244 : i32 to index
          %swap3A_246 = tpu.vector_load %arg12[%swap3A_245] {strides = array<i32>} : memref<1024xf32, #tpu.memory_space<vmem>>, vector<16xf32>,
          %swap3A_247 = vector.shape_cast %swap3A_246 : vector<16xf32> to vector<16xf32>
          %swap3A_248 = vector.shape_cast %add3A_242 : vector<16xf32> to vector<16xf32>
          tpu.vector_store %arg12[%swap3A_245], %swap3A_248 {strides = array<i32>} : memref<1024xf32, #tpu.memory_space<vmem>>, vector<16xf32>,
          %scan3A_249 = arith.constant 0 : i32
          %scan3A_250 = arith.constant 2 : i32
          %scan3A_251 = arith.addi %scan3A_86, %scan3A_250 : i32
          %broadcast_in_dim3A_252 = arith.constant 0.000000e+00 : f32
          %broadcast_in_dim3A_253 = vector.broadcast %broadcast_in_dim3A_252 : f32 to vector<16xf32>
          %mul3A_254 = arith.constant 16 : i32
          %mul3A_255 = arith.muli %scan3A_251, %mul3A_254 : i32
          %get3A_256 = arith.constant 0 : i32
          %get3A_257 = arith.index_cast %get3A_256 : i32 to index
          %get3A_258 = arith.index_cast %mul3A_255 : i32 to index
          %get3A_259 = tpu.vector_load %arg10[%get3A_257, %get3A_258] {strides = array<i32>} : memref<8x1024xf32, #tpu.memory_space<vmem>>, vector<1x16xf32>,
          %get3A_260 = vector.shape_cast %get3A_259 : vector<1x16xf32> to vector<16xf32>
          %mul3A_261 = arith.mulf %get3A_23, %get3A_260 : vector<16xf32>
          %add3A_262 = arith.addf %broadcast_in_dim3A_253, %mul3A_261 : vector<16xf32>
          %mul3A_263 = arith.constant 16 : i32
          %mul3A_264 = arith.muli %scan3A_251, %mul3A_263 : i32
          %get3A_265 = arith.constant 1 : i32
          %get3A_266 = arith.index_cast %get3A_265 : i32 to index
          %get3A_267 = arith.index_cast %mul3A_264 : i32 to index
          %get3A_268 = tpu.vector_load %arg10[%get3A_266, %get3A_267] {strides = array<i32>} : memref<8x1024xf32, #tpu.memory_space<vmem>>, vector<1x16xf32>,
          %get3A_269 = vector.shape_cast %get3A_268 : vector<1x16xf32> to vector<16xf32>
          %mul3A_270 = arith.mulf %get3A_26, %get3A_269 : vector<16xf32>
          %add3A_271 = arith.addf %add3A_262, %mul3A_270 : vector<16xf32>
          %mul3A_272 = arith.constant 16 : i32
          %mul3A_273 = arith.muli %scan3A_251, %mul3A_272 : i32
          %get3A_274 = arith.constant 2 : i32
          %get3A_275 = arith.index_cast %get3A_274 : i32 to index
          %get3A_276 = arith.index_cast %mul3A_273 : i32 to index
          %get3A_277 = tpu.vector_load %arg10[%get3A_275, %get3A_276] {strides = array<i32>} : memref<8x1024xf32, #tpu.memory_space<vmem>>, vector<1x16xf32>,
          %get3A_278 = vector.shape_cast %get3A_277 : vector<1x16xf32> to vector<16xf32>
          %mul3A_279 = arith.mulf %get3A_29, %get3A_278 : vector<16xf32>
          %add3A_280 = arith.addf %add3A_271, %mul3A_279 : vector<16xf32>
          %mul3A_281 = arith.constant 16 : i32
          %mul3A_282 = arith.muli %scan3A_251, %mul3A_281 : i32
          %get3A_283 = arith.constant 3 : i32
          %get3A_284 = arith.index_cast %get3A_283 : i32 to index
          %get3A_285 = arith.index_cast %mul3A_282 : i32 to index
          %get3A_286 = tpu.vector_load %arg10[%get3A_284, %get3A_285] {strides = array<i32>} : memref<8x1024xf32, #tpu.memory_space<vmem>>, vector<1x16xf32>,
          %get3A_287 = vector.shape_cast %get3A_286 : vector<1x16xf32> to vector<16xf32>
          %mul3A_288 = arith.mulf %get3A_32, %get3A_287 : vector<16xf32>
          %add3A_289 = arith.addf %add3A_280, %mul3A_288 : vector<16xf32>
          %mul3A_290 = arith.constant 16 : i32
          %mul3A_291 = arith.muli %scan3A_251, %mul3A_290 : i32
          %get3A_292 = arith.constant 4 : i32
          %get3A_293 = arith.index_cast %get3A_292 : i32 to index
          %get3A_294 = arith.index_cast %mul3A_291 : i32 to index
          %get3A_295 = tpu.vector_load %arg10[%get3A_293, %get3A_294] {strides = array<i32>} : memref<8x1024xf32, #tpu.memory_space<vmem>>, vector<1x16xf32>,
          %get3A_296 = vector.shape_cast %get3A_295 : vector<1x16xf32> to vector<16xf32>
          %mul3A_297 = arith.mulf %get3A_35, %get3A_296 : vector<16xf32>
          %add3A_298 = arith.addf %add3A_289, %mul3A_297 : vector<16xf32>
          %mul3A_299 = arith.constant 16 : i32
          %mul3A_300 = arith.muli %scan3A_251, %mul3A_299 : i32
          %get3A_301 = arith.constant 5 : i32
          %get3A_302 = arith.index_cast %get3A_301 : i32 to index
          %get3A_303 = arith.index_cast %mul3A_300 : i32 to index
          %get3A_304 = tpu.vector_load %arg10[%get3A_302, %get3A_303] {strides = array<i32>} : memref<8x1024xf32, #tpu.memory_space<vmem>>, vector<1x16xf32>,
          %get3A_305 = vector.shape_cast %get3A_304 : vector<1x16xf32> to vector<16xf32>
          %mul3A_306 = arith.mulf %get3A_38, %get3A_305 : vector<16xf32>
          %add3A_307 = arith.addf %add3A_298, %mul3A_306 : vector<16xf32>
          %mul3A_308 = arith.constant 16 : i32
          %mul3A_309 = arith.muli %scan3A_251, %mul3A_308 : i32
          %get3A_310 = arith.constant 6 : i32
          %get3A_311 = arith.index_cast %get3A_310 : i32 to index
          %get3A_312 = arith.index_cast %mul3A_309 : i32 to index
          %get3A_313 = tpu.vector_load %arg10[%get3A_311, %get3A_312] {strides = array<i32>} : memref<8x1024xf32, #tpu.memory_space<vmem>>, vector<1x16xf32>,
          %get3A_314 = vector.shape_cast %get3A_313 : vector<1x16xf32> to vector<16xf32>
          %mul3A_315 = arith.mulf %get3A_41, %get3A_314 : vector<16xf32>
          %add3A_316 = arith.addf %add3A_307, %mul3A_315 : vector<16xf32>
          %mul3A_317 = arith.constant 16 : i32
          %mul3A_318 = arith.muli %scan3A_251, %mul3A_317 : i32
          %get3A_319 = arith.constant 7 : i32
          %get3A_320 = arith.index_cast %get3A_319 : i32 to index
          %get3A_321 = arith.index_cast %mul3A_318 : i32 to index
          %get3A_322 = tpu.vector_load %arg10[%get3A_320, %get3A_321] {strides = array<i32>} : memref<8x1024xf32, #tpu.memory_space<vmem>>, vector<1x16xf32>,
          %get3A_323 = vector.shape_cast %get3A_322 : vector<1x16xf32> to vector<16xf32>
          %mul3A_324 = arith.mulf %get3A_44, %get3A_323 : vector<16xf32>
          %add3A_325 = arith.addf %add3A_316, %mul3A_324 : vector<16xf32>
          %mul3A_326 = arith.constant 16 : i32
          %mul3A_327 = arith.muli %scan3A_251, %mul3A_326 : i32
          %swap3A_328 = arith.index_cast %mul3A_327 : i32 to index
          %swap3A_329 = tpu.vector_load %arg12[%swap3A_328] {strides = array<i32>} : memref<1024xf32, #tpu.memory_space<vmem>>, vector<16xf32>,
          %swap3A_330 = vector.shape_cast %swap3A_329 : vector<16xf32> to vector<16xf32>
          %swap3A_331 = vector.shape_cast %add3A_325 : vector<16xf32> to vector<16xf32>
          tpu.vector_store %arg12[%swap3A_328], %swap3A_331 {strides = array<i32>} : memref<1024xf32, #tpu.memory_space<vmem>>, vector<16xf32>,
          %scan3A_332 = arith.constant 0 : i32
          %scan3A_333 = arith.constant 3 : i32
          %scan3A_334 = arith.addi %scan3A_86, %scan3A_333 : i32
          %broadcast_in_dim3A_335 = arith.constant 0.000000e+00 : f32
          %broadcast_in_dim3A_336 = vector.broadcast %broadcast_in_dim3A_335 : f32 to vector<16xf32>
          %mul3A_337 = arith.constant 16 : i32
          %mul3A_338 = arith.muli %scan3A_334, %mul3A_337 : i32
          %get3A_339 = arith.constant 0 : i32
          %get3A_340 = arith.index_cast %get3A_339 : i32 to index
          %get3A_341 = arith.index_cast %mul3A_338 : i32 to index
          %get3A_342 = tpu.vector_load %arg10[%get3A_340, %get3A_341] {strides = array<i32>} : memref<8x1024xf32, #tpu.memory_space<vmem>>, vector<1x16xf32>,
          %get3A_343 = vector.shape_cast %get3A_342 : vector<1x16xf32> to vector<16xf32>
          %mul3A_344 = arith.mulf %get3A_23, %get3A_343 : vector<16xf32>
          %add3A_345 = arith.addf %broadcast_in_dim3A_336, %mul3A_344 : vector<16xf32>
          %mul3A_346 = arith.constant 16 : i32
          %mul3A_347 = arith.muli %scan3A_334, %mul3A_346 : i32
          %get3A_348 = arith.constant 1 : i32
          %get3A_349 = arith.index_cast %get3A_348 : i32 to index
          %get3A_350 = arith.index_cast %mul3A_347 : i32 to index
          %get3A_351 = tpu.vector_load %arg10[%get3A_349, %get3A_350] {strides = array<i32>} : memref<8x1024xf32, #tpu.memory_space<vmem>>, vector<1x16xf32>,
          %get3A_352 = vector.shape_cast %get3A_351 : vector<1x16xf32> to vector<16xf32>
          %mul3A_353 = arith.mulf %get3A_26, %get3A_352 : vector<16xf32>
          %add3A_354 = arith.addf %add3A_345, %mul3A_353 : vector<16xf32>
          %mul3A_355 = arith.constant 16 : i32
          %mul3A_356 = arith.muli %scan3A_334, %mul3A_355 : i32
          %get3A_357 = arith.constant 2 : i32
          %get3A_358 = arith.index_cast %get3A_357 : i32 to index
          %get3A_359 = arith.index_cast %mul3A_356 : i32 to index
          %get3A_360 = tpu.vector_load %arg10[%get3A_358, %get3A_359] {strides = array<i32>} : memref<8x1024xf32, #tpu.memory_space<vmem>>, vector<1x16xf32>,
          %get3A_361 = vector.shape_cast %get3A_360 : vector<1x16xf32> to vector<16xf32>
          %mul3A_362 = arith.mulf %get3A_29, %get3A_361 : vector<16xf32>
          %add3A_363 = arith.addf %add3A_354, %mul3A_362 : vector<16xf32>
          %mul3A_364 = arith.constant 16 : i32
          %mul3A_365 = arith.muli %scan3A_334, %mul3A_364 : i32
          %get3A_366 = arith.constant 3 : i32
          %get3A_367 = arith.index_cast %get3A_366 : i32 to index
          %get3A_368 = arith.index_cast %mul3A_365 : i32 to index
          %get3A_369 = tpu.vector_load %arg10[%get3A_367, %get3A_368] {strides = array<i32>} : memref<8x1024xf32, #tpu.memory_space<vmem>>, vector<1x16xf32>,
          %get3A_370 = vector.shape_cast %get3A_369 : vector<1x16xf32> to vector<16xf32>
          %mul3A_371 = arith.mulf %get3A_32, %get3A_370 : vector<16xf32>
          %add3A_372 = arith.addf %add3A_363, %mul3A_371 : vector<16xf32>
          %mul3A_373 = arith.constant 16 : i32
          %mul3A_374 = arith.muli %scan3A_334, %mul3A_373 : i32
          %get3A_375 = arith.constant 4 : i32
          %get3A_376 = arith.index_cast %get3A_375 : i32 to index
          %get3A_377 = arith.index_cast %mul3A_374 : i32 to index
          %get3A_378 = tpu.vector_load %arg10[%get3A_376, %get3A_377] {strides = array<i32>} : memref<8x1024xf32, #tpu.memory_space<vmem>>, vector<1x16xf32>,
          %get3A_379 = vector.shape_cast %get3A_378 : vector<1x16xf32> to vector<16xf32>
          %mul3A_380 = arith.mulf %get3A_35, %get3A_379 : vector<16xf32>
          %add3A_381 = arith.addf %add3A_372, %mul3A_380 : vector<16xf32>
          %mul3A_382 = arith.constant 16 : i32
          %mul3A_383 = arith.muli %scan3A_334, %mul3A_382 : i32
          %get3A_384 = arith.constant 5 : i32
          %get3A_385 = arith.index_cast %get3A_384 : i32 to index
          %get3A_386 = arith.index_cast %mul3A_383 : i32 to index
          %get3A_387 = tpu.vector_load %arg10[%get3A_385, %get3A_386] {strides = array<i32>} : memref<8x1024xf32, #tpu.memory_space<vmem>>, vector<1x16xf32>,
          %get3A_388 = vector.shape_cast %get3A_387 : vector<1x16xf32> to vector<16xf32>
          %mul3A_389 = arith.mulf %get3A_38, %get3A_388 : vector<16xf32>
          %add3A_390 = arith.addf %add3A_381, %mul3A_389 : vector<16xf32>
          %mul3A_391 = arith.constant 16 : i32
          %mul3A_392 = arith.muli %scan3A_334, %mul3A_391 : i32
          %get3A_393 = arith.constant 6 : i32
          %get3A_394 = arith.index_cast %get3A_393 : i32 to index
          %get3A_395 = arith.index_cast %mul3A_392 : i32 to index
          %get3A_396 = tpu.vector_load %arg10[%get3A_394, %get3A_395] {strides = array<i32>} : memref<8x1024xf32, #tpu.memory_space<vmem>>, vector<1x16xf32>,
          %get3A_397 = vector.shape_cast %get3A_396 : vector<1x16xf32> to vector<16xf32>
          %mul3A_398 = arith.mulf %get3A_41, %get3A_397 : vector<16xf32>
          %add3A_399 = arith.addf %add3A_390, %mul3A_398 : vector<16xf32>
          %mul3A_400 = arith.constant 16 : i32
          %mul3A_401 = arith.muli %scan3A_334, %mul3A_400 : i32
          %get3A_402 = arith.constant 7 : i32
          %get3A_403 = arith.index_cast %get3A_402 : i32 to index
          %get3A_404 = arith.index_cast %mul3A_401 : i32 to index
          %get3A_405 = tpu.vector_load %arg10[%get3A_403, %get3A_404] {strides = array<i32>} : memref<8x1024xf32, #tpu.memory_space<vmem>>, vector<1x16xf32>,
          %get3A_406 = vector.shape_cast %get3A_405 : vector<1x16xf32> to vector<16xf32>
          %mul3A_407 = arith.mulf %get3A_44, %get3A_406 : vector<16xf32>
          %add3A_408 = arith.addf %add3A_399, %mul3A_407 : vector<16xf32>
          %mul3A_409 = arith.constant 16 : i32
          %mul3A_410 = arith.muli %scan3A_334, %mul3A_409 : i32
          %swap3A_411 = arith.index_cast %mul3A_410 : i32 to index
          %swap3A_412 = tpu.vector_load %arg12[%swap3A_411] {strides = array<i32>} : memref<1024xf32, #tpu.memory_space<vmem>>, vector<16xf32>,
          %swap3A_413 = vector.shape_cast %swap3A_412 : vector<16xf32> to vector<16xf32>
          %swap3A_414 = vector.shape_cast %add3A_408 : vector<16xf32> to vector<16xf32>
          tpu.vector_store %arg12[%swap3A_411], %swap3A_414 {strides = array<i32>} : memref<1024xf32, #tpu.memory_space<vmem>>, vector<16xf32>,
          %scan3A_415 = arith.constant 0 : i32
          scf.yield %scan3A_415 : i32
        }
        %scan3A_51 = arith.constant 64 : i32
        "tpu.region"() ({
          %run_scoped3A = tpu.sem_alloc : memref<!tpu.dma_semaphore, #tpu.memory_space<semaphore_mem>>
          %dma_start3A_86 = arith.constant 0 : i32
          %dma_start3A_87 = tpu.memref_slice %arg6[%add3A_11, %dma_start3A_86] : memref<101x1024xf32, #tpu.memory_space<hbm>> -> memref<1x1024xf32, #tpu.memory_space<hbm>>
          %dma_start3A_88 = tpu.memref_squeeze %dma_start3A_87 : memref<1x1024xf32, #tpu.memory_space<hbm>> -> memref<1024xf32, #tpu.memory_space<hbm>>
          %dma_start3A_89 = arith.constant 0 : i32
          %dma_start3A_90 = tpu.memref_slice %arg6[%add3A_11, %dma_start3A_89] : memref<101x1024xf32, #tpu.memory_space<hbm>> -> memref<1x1024xf32, #tpu.memory_space<hbm>>
          %dma_start3A_91 = tpu.memref_squeeze %dma_start3A_90 : memref<1x1024xf32, #tpu.memory_space<hbm>> -> memref<1024xf32, #tpu.memory_space<hbm>>
          tpu.enqueue_dma source(%arg12 : memref<1024xf32, #tpu.memory_space<vmem>>) target(%dma_start3A_91 : memref<1024xf32, #tpu.memory_space<hbm>>) target_semaphore(%run_scoped3A : memref<!tpu.dma_semaphore, #tpu.memory_space<semaphore_mem>>)
          %dma_wait3A_92 = arith.constant 0 : i32
          %dma_wait3A_93 = tpu.memref_slice %arg6[%add3A_11, %dma_wait3A_92] : memref<101x1024xf32, #tpu.memory_space<hbm>> -> memref<1x1024xf32, #tpu.memory_space<hbm>>
          %dma_wait3A_94 = tpu.memref_squeeze %dma_wait3A_93 : memref<1x1024xf32, #tpu.memory_space<hbm>> -> memref<1024xf32, #tpu.memory_space<hbm>>
          %dma_wait3A_95 = arith.constant 0 : i32
          %dma_wait3A_96 = tpu.memref_slice %arg6[%add3A_11, %dma_wait3A_95] : memref<101x1024xf32, #tpu.memory_space<hbm>> -> memref<1x1024xf32, #tpu.memory_space<hbm>>
          %dma_wait3A_97 = tpu.memref_squeeze %dma_wait3A_96 : memref<1x1024xf32, #tpu.memory_space<hbm>> -> memref<1024xf32, #tpu.memory_space<hbm>>
          tpu.wait_dma2 semaphore(%run_scoped3A : memref<!tpu.dma_semaphore, #tpu.memory_space<semaphore_mem>>) src(%arg12 : memref<1024xf32, #tpu.memory_space<vmem>>) dst(%dma_wait3A_97 : memref<1024xf32, #tpu.memory_space<hbm>>)
          tpu.yield
        }) : () -> ()
        %dma_wait3A_52 = arith.constant 0 : i32
        %dma_wait3A_53 = arith.constant 0 : i32
        %dma_wait3A_54 = tpu.memref_slice %arg3[%dma_wait3A_52, %dma_wait3A_53] : memref<51712x1024xf32, #tpu.memory_space<hbm>> -> memref<51712x1024xf32, #tpu.memory_space<hbm>>
        tpu.wait_indirect_dma semaphore(%arg14 : memref<!tpu.dma_semaphore, #tpu.memory_space<semaphore_mem>>) src(%dma_wait3A_54 : memref<51712x1024xf32, #tpu.memory_space<hbm>>) dst(%arg11 : memref<8x1024xf32, #tpu.memory_space<vmem>>)
        %get3A_55 = arith.constant 0 : index
        %get3A_56 = tpu.vector_load %arg9[%get3A_55] {strides = array<i32>} : memref<128xf32, #tpu.memory_space<vmem>>, vector<16xf32>,
        %get3A_57 = vector.shape_cast %get3A_56 : vector<16xf32> to vector<16xf32>
        %get3A_58 = arith.constant 16 : index
        %get3A_59 = tpu.vector_load %arg9[%get3A_58] {strides = array<i32>} : memref<128xf32, #tpu.memory_space<vmem>>, vector<16xf32>,
        %get3A_60 = vector.shape_cast %get3A_59 : vector<16xf32> to vector<16xf32>
        %get3A_61 = arith.constant 32 : index
        %get3A_62 = tpu.vector_load %arg9[%get3A_61] {strides = array<i32>} : memref<128xf32, #tpu.memory_space<vmem>>, vector<16xf32>,
        %get3A_63 = vector.shape_cast %get3A_62 : vector<16xf32> to vector<16xf32>
        %get3A_64 = arith.constant 48 : index
        %get3A_65 = tpu.vector_load %arg9[%get3A_64] {strides = array<i32>} : memref<128xf32, #tpu.memory_space<vmem>>, vector<16xf32>,
        %get3A_66 = vector.shape_cast %get3A_65 : vector<16xf32> to vector<16xf32>
        %get3A_67 = arith.constant 64 : index
        %get3A_68 = tpu.vector_load %arg9[%get3A_67] {strides = array<i32>} : memref<128xf32, #tpu.memory_space<vmem>>, vector<16xf32>,
        %get3A_69 = vector.shape_cast %get3A_68 : vector<16xf32> to vector<16xf32>
        %get3A_70 = arith.constant 80 : index
        %get3A_71 = tpu.vector_load %arg9[%get3A_70] {strides = array<i32>} : memref<128xf32, #tpu.memory_space<vmem>>, vector<16xf32>,
        %get3A_72 = vector.shape_cast %get3A_71 : vector<16xf32> to vector<16xf32>
        %get3A_73 = arith.constant 96 : index
        %get3A_74 = tpu.vector_load %arg9[%get3A_73] {strides = array<i32>} : memref<128xf32, #tpu.memory_space<vmem>>, vector<16xf32>,
        %get3A_75 = vector.shape_cast %get3A_74 : vector<16xf32> to vector<16xf32>
        %get3A_76 = arith.constant 112 : index
        %get3A_77 = tpu.vector_load %arg9[%get3A_76] {strides = array<i32>} : memref<128xf32, #tpu.memory_space<vmem>>, vector<16xf32>,
        %get3A_78 = vector.shape_cast %get3A_77 : vector<16xf32> to vector<16xf32>
        %scan3A_79 = arith.constant 0 : i32
        %scan3A_80 = arith.constant 0 : i32
        %scan3A_81 = arith.constant 64 : i32
        %scan3A_82 = arith.addi %scan3A_80, %scan3A_81 : i32
        %scan3A_83 = arith.constant 4 : i32
        %scan3A_84 = scf.for %scan3A_86 = %scan3A_80 to %scan3A_82 step %scan3A_83 iter_args(%scan3A_87 = %scan3A_79) -> (i32)  : i32 {
          %broadcast_in_dim3A = arith.constant 0.000000e+00 : f32
          %broadcast_in_dim3A_88 = vector.broadcast %broadcast_in_dim3A : f32 to vector<16xf32>
          %mul3A_89 = arith.constant 16 : i32
          %mul3A_90 = arith.muli %scan3A_86, %mul3A_89 : i32
          %get3A_91 = arith.constant 0 : i32
          %get3A_92 = arith.index_cast %get3A_91 : i32 to index
          %get3A_93 = arith.index_cast %mul3A_90 : i32 to index
          %get3A_94 = tpu.vector_load %arg11[%get3A_92, %get3A_93] {strides = array<i32>} : memref<8x1024xf32, #tpu.memory_space<vmem>>, vector<1x16xf32>,
          %get3A_95 = vector.shape_cast %get3A_94 : vector<1x16xf32> to vector<16xf32>
          %mul3A_96 = arith.mulf %get3A_57, %get3A_95 : vector<16xf32>
          %add3A_97 = arith.addf %broadcast_in_dim3A_88, %mul3A_96 : vector<16xf32>
          %mul3A_98 = arith.constant 16 : i32
          %mul3A_99 = arith.muli %scan3A_86, %mul3A_98 : i32
          %get3A_100 = arith.constant 1 : i32
          %get3A_101 = arith.index_cast %get3A_100 : i32 to index
          %get3A_102 = arith.index_cast %mul3A_99 : i32 to index
          %get3A_103 = tpu.vector_load %arg11[%get3A_101, %get3A_102] {strides = array<i32>} : memref<8x1024xf32, #tpu.memory_space<vmem>>, vector<1x16xf32>,
          %get3A_104 = vector.shape_cast %get3A_103 : vector<1x16xf32> to vector<16xf32>
          %mul3A_105 = arith.mulf %get3A_60, %get3A_104 : vector<16xf32>
          %add3A_106 = arith.addf %add3A_97, %mul3A_105 : vector<16xf32>
          %mul3A_107 = arith.constant 16 : i32
          %mul3A_108 = arith.muli %scan3A_86, %mul3A_107 : i32
          %get3A_109 = arith.constant 2 : i32
          %get3A_110 = arith.index_cast %get3A_109 : i32 to index
          %get3A_111 = arith.index_cast %mul3A_108 : i32 to index
          %get3A_112 = tpu.vector_load %arg11[%get3A_110, %get3A_111] {strides = array<i32>} : memref<8x1024xf32, #tpu.memory_space<vmem>>, vector<1x16xf32>,
          %get3A_113 = vector.shape_cast %get3A_112 : vector<1x16xf32> to vector<16xf32>
          %mul3A_114 = arith.mulf %get3A_63, %get3A_113 : vector<16xf32>
          %add3A_115 = arith.addf %add3A_106, %mul3A_114 : vector<16xf32>
          %mul3A_116 = arith.constant 16 : i32
          %mul3A_117 = arith.muli %scan3A_86, %mul3A_116 : i32
          %get3A_118 = arith.constant 3 : i32
          %get3A_119 = arith.index_cast %get3A_118 : i32 to index
          %get3A_120 = arith.index_cast %mul3A_117 : i32 to index
          %get3A_121 = tpu.vector_load %arg11[%get3A_119, %get3A_120] {strides = array<i32>} : memref<8x1024xf32, #tpu.memory_space<vmem>>, vector<1x16xf32>,
          %get3A_122 = vector.shape_cast %get3A_121 : vector<1x16xf32> to vector<16xf32>
          %mul3A_123 = arith.mulf %get3A_66, %get3A_122 : vector<16xf32>
          %add3A_124 = arith.addf %add3A_115, %mul3A_123 : vector<16xf32>
          %mul3A_125 = arith.constant 16 : i32
          %mul3A_126 = arith.muli %scan3A_86, %mul3A_125 : i32
          %get3A_127 = arith.constant 4 : i32
          %get3A_128 = arith.index_cast %get3A_127 : i32 to index
          %get3A_129 = arith.index_cast %mul3A_126 : i32 to index
          %get3A_130 = tpu.vector_load %arg11[%get3A_128, %get3A_129] {strides = array<i32>} : memref<8x1024xf32, #tpu.memory_space<vmem>>, vector<1x16xf32>,
          %get3A_131 = vector.shape_cast %get3A_130 : vector<1x16xf32> to vector<16xf32>
          %mul3A_132 = arith.mulf %get3A_69, %get3A_131 : vector<16xf32>
          %add3A_133 = arith.addf %add3A_124, %mul3A_132 : vector<16xf32>
          %mul3A_134 = arith.constant 16 : i32
          %mul3A_135 = arith.muli %scan3A_86, %mul3A_134 : i32
          %get3A_136 = arith.constant 5 : i32
          %get3A_137 = arith.index_cast %get3A_136 : i32 to index
          %get3A_138 = arith.index_cast %mul3A_135 : i32 to index
          %get3A_139 = tpu.vector_load %arg11[%get3A_137, %get3A_138] {strides = array<i32>} : memref<8x1024xf32, #tpu.memory_space<vmem>>, vector<1x16xf32>,
          %get3A_140 = vector.shape_cast %get3A_139 : vector<1x16xf32> to vector<16xf32>
          %mul3A_141 = arith.mulf %get3A_72, %get3A_140 : vector<16xf32>
          %add3A_142 = arith.addf %add3A_133, %mul3A_141 : vector<16xf32>
          %mul3A_143 = arith.constant 16 : i32
          %mul3A_144 = arith.muli %scan3A_86, %mul3A_143 : i32
          %get3A_145 = arith.constant 6 : i32
          %get3A_146 = arith.index_cast %get3A_145 : i32 to index
          %get3A_147 = arith.index_cast %mul3A_144 : i32 to index
          %get3A_148 = tpu.vector_load %arg11[%get3A_146, %get3A_147] {strides = array<i32>} : memref<8x1024xf32, #tpu.memory_space<vmem>>, vector<1x16xf32>,
          %get3A_149 = vector.shape_cast %get3A_148 : vector<1x16xf32> to vector<16xf32>
          %mul3A_150 = arith.mulf %get3A_75, %get3A_149 : vector<16xf32>
          %add3A_151 = arith.addf %add3A_142, %mul3A_150 : vector<16xf32>
          %mul3A_152 = arith.constant 16 : i32
          %mul3A_153 = arith.muli %scan3A_86, %mul3A_152 : i32
          %get3A_154 = arith.constant 7 : i32
          %get3A_155 = arith.index_cast %get3A_154 : i32 to index
          %get3A_156 = arith.index_cast %mul3A_153 : i32 to index
          %get3A_157 = tpu.vector_load %arg11[%get3A_155, %get3A_156] {strides = array<i32>} : memref<8x1024xf32, #tpu.memory_space<vmem>>, vector<1x16xf32>,
          %get3A_158 = vector.shape_cast %get3A_157 : vector<1x16xf32> to vector<16xf32>
          %mul3A_159 = arith.mulf %get3A_78, %get3A_158 : vector<16xf32>
          %add3A_160 = arith.addf %add3A_151, %mul3A_159 : vector<16xf32>
          %mul3A_161 = arith.constant 16 : i32
          %mul3A_162 = arith.muli %scan3A_86, %mul3A_161 : i32
          %swap3A = arith.index_cast %mul3A_162 : i32 to index
          %swap3A_163 = tpu.vector_load %arg12[%swap3A] {strides = array<i32>} : memref<1024xf32, #tpu.memory_space<vmem>>, vector<16xf32>,
          %swap3A_164 = vector.shape_cast %swap3A_163 : vector<16xf32> to vector<16xf32>
          %swap3A_165 = vector.shape_cast %add3A_160 : vector<16xf32> to vector<16xf32>
          tpu.vector_store %arg12[%swap3A], %swap3A_165 {strides = array<i32>} : memref<1024xf32, #tpu.memory_space<vmem>>, vector<16xf32>,
          %scan3A_166 = arith.constant 0 : i32
          %scan3A_167 = arith.constant 1 : i32
          %scan3A_168 = arith.addi %scan3A_86, %scan3A_167 : i32
          %broadcast_in_dim3A_169 = arith.constant 0.000000e+00 : f32
          %broadcast_in_dim3A_170 = vector.broadcast %broadcast_in_dim3A_169 : f32 to vector<16xf32>
          %mul3A_171 = arith.constant 16 : i32
          %mul3A_172 = arith.muli %scan3A_168, %mul3A_171 : i32
          %get3A_173 = arith.constant 0 : i32
          %get3A_174 = arith.index_cast %get3A_173 : i32 to index
          %get3A_175 = arith.index_cast %mul3A_172 : i32 to index
          %get3A_176 = tpu.vector_load %arg11[%get3A_174, %get3A_175] {strides = array<i32>} : memref<8x1024xf32, #tpu.memory_space<vmem>>, vector<1x16xf32>,
          %get3A_177 = vector.shape_cast %get3A_176 : vector<1x16xf32> to vector<16xf32>
          %mul3A_178 = arith.mulf %get3A_57, %get3A_177 : vector<16xf32>
          %add3A_179 = arith.addf %broadcast_in_dim3A_170, %mul3A_178 : vector<16xf32>
          %mul3A_180 = arith.constant 16 : i32
          %mul3A_181 = arith.muli %scan3A_168, %mul3A_180 : i32
          %get3A_182 = arith.constant 1 : i32
          %get3A_183 = arith.index_cast %get3A_182 : i32 to index
          %get3A_184 = arith.index_cast %mul3A_181 : i32 to index
          %get3A_185 = tpu.vector_load %arg11[%get3A_183, %get3A_184] {strides = array<i32>} : memref<8x1024xf32, #tpu.memory_space<vmem>>, vector<1x16xf32>,
          %get3A_186 = vector.shape_cast %get3A_185 : vector<1x16xf32> to vector<16xf32>
          %mul3A_187 = arith.mulf %get3A_60, %get3A_186 : vector<16xf32>
          %add3A_188 = arith.addf %add3A_179, %mul3A_187 : vector<16xf32>
          %mul3A_189 = arith.constant 16 : i32
          %mul3A_190 = arith.muli %scan3A_168, %mul3A_189 : i32
          %get3A_191 = arith.constant 2 : i32
          %get3A_192 = arith.index_cast %get3A_191 : i32 to index
          %get3A_193 = arith.index_cast %mul3A_190 : i32 to index
          %get3A_194 = tpu.vector_load %arg11[%get3A_192, %get3A_193] {strides = array<i32>} : memref<8x1024xf32, #tpu.memory_space<vmem>>, vector<1x16xf32>,
          %get3A_195 = vector.shape_cast %get3A_194 : vector<1x16xf32> to vector<16xf32>
          %mul3A_196 = arith.mulf %get3A_63, %get3A_195 : vector<16xf32>
          %add3A_197 = arith.addf %add3A_188, %mul3A_196 : vector<16xf32>
          %mul3A_198 = arith.constant 16 : i32
          %mul3A_199 = arith.muli %scan3A_168, %mul3A_198 : i32
          %get3A_200 = arith.constant 3 : i32
          %get3A_201 = arith.index_cast %get3A_200 : i32 to index
          %get3A_202 = arith.index_cast %mul3A_199 : i32 to index
          %get3A_203 = tpu.vector_load %arg11[%get3A_201, %get3A_202] {strides = array<i32>} : memref<8x1024xf32, #tpu.memory_space<vmem>>, vector<1x16xf32>,
          %get3A_204 = vector.shape_cast %get3A_203 : vector<1x16xf32> to vector<16xf32>
          %mul3A_205 = arith.mulf %get3A_66, %get3A_204 : vector<16xf32>
          %add3A_206 = arith.addf %add3A_197, %mul3A_205 : vector<16xf32>
          %mul3A_207 = arith.constant 16 : i32
          %mul3A_208 = arith.muli %scan3A_168, %mul3A_207 : i32
          %get3A_209 = arith.constant 4 : i32
          %get3A_210 = arith.index_cast %get3A_209 : i32 to index
          %get3A_211 = arith.index_cast %mul3A_208 : i32 to index
          %get3A_212 = tpu.vector_load %arg11[%get3A_210, %get3A_211] {strides = array<i32>} : memref<8x1024xf32, #tpu.memory_space<vmem>>, vector<1x16xf32>,
          %get3A_213 = vector.shape_cast %get3A_212 : vector<1x16xf32> to vector<16xf32>
          %mul3A_214 = arith.mulf %get3A_69, %get3A_213 : vector<16xf32>
          %add3A_215 = arith.addf %add3A_206, %mul3A_214 : vector<16xf32>
          %mul3A_216 = arith.constant 16 : i32
          %mul3A_217 = arith.muli %scan3A_168, %mul3A_216 : i32
          %get3A_218 = arith.constant 5 : i32
          %get3A_219 = arith.index_cast %get3A_218 : i32 to index
          %get3A_220 = arith.index_cast %mul3A_217 : i32 to index
          %get3A_221 = tpu.vector_load %arg11[%get3A_219, %get3A_220] {strides = array<i32>} : memref<8x1024xf32, #tpu.memory_space<vmem>>, vector<1x16xf32>,
          %get3A_222 = vector.shape_cast %get3A_221 : vector<1x16xf32> to vector<16xf32>
          %mul3A_223 = arith.mulf %get3A_72, %get3A_222 : vector<16xf32>
          %add3A_224 = arith.addf %add3A_215, %mul3A_223 : vector<16xf32>
          %mul3A_225 = arith.constant 16 : i32
          %mul3A_226 = arith.muli %scan3A_168, %mul3A_225 : i32
          %get3A_227 = arith.constant 6 : i32
          %get3A_228 = arith.index_cast %get3A_227 : i32 to index
          %get3A_229 = arith.index_cast %mul3A_226 : i32 to index
          %get3A_230 = tpu.vector_load %arg11[%get3A_228, %get3A_229] {strides = array<i32>} : memref<8x1024xf32, #tpu.memory_space<vmem>>, vector<1x16xf32>,
          %get3A_231 = vector.shape_cast %get3A_230 : vector<1x16xf32> to vector<16xf32>
          %mul3A_232 = arith.mulf %get3A_75, %get3A_231 : vector<16xf32>
          %add3A_233 = arith.addf %add3A_224, %mul3A_232 : vector<16xf32>
          %mul3A_234 = arith.constant 16 : i32
          %mul3A_235 = arith.muli %scan3A_168, %mul3A_234 : i32
          %get3A_236 = arith.constant 7 : i32
          %get3A_237 = arith.index_cast %get3A_236 : i32 to index
          %get3A_238 = arith.index_cast %mul3A_235 : i32 to index
          %get3A_239 = tpu.vector_load %arg11[%get3A_237, %get3A_238] {strides = array<i32>} : memref<8x1024xf32, #tpu.memory_space<vmem>>, vector<1x16xf32>,
          %get3A_240 = vector.shape_cast %get3A_239 : vector<1x16xf32> to vector<16xf32>
          %mul3A_241 = arith.mulf %get3A_78, %get3A_240 : vector<16xf32>
          %add3A_242 = arith.addf %add3A_233, %mul3A_241 : vector<16xf32>
          %mul3A_243 = arith.constant 16 : i32
          %mul3A_244 = arith.muli %scan3A_168, %mul3A_243 : i32
          %swap3A_245 = arith.index_cast %mul3A_244 : i32 to index
          %swap3A_246 = tpu.vector_load %arg12[%swap3A_245] {strides = array<i32>} : memref<1024xf32, #tpu.memory_space<vmem>>, vector<16xf32>,
          %swap3A_247 = vector.shape_cast %swap3A_246 : vector<16xf32> to vector<16xf32>
          %swap3A_248 = vector.shape_cast %add3A_242 : vector<16xf32> to vector<16xf32>
          tpu.vector_store %arg12[%swap3A_245], %swap3A_248 {strides = array<i32>} : memref<1024xf32, #tpu.memory_space<vmem>>, vector<16xf32>,
          %scan3A_249 = arith.constant 0 : i32
          %scan3A_250 = arith.constant 2 : i32
          %scan3A_251 = arith.addi %scan3A_86, %scan3A_250 : i32
          %broadcast_in_dim3A_252 = arith.constant 0.000000e+00 : f32
          %broadcast_in_dim3A_253 = vector.broadcast %broadcast_in_dim3A_252 : f32 to vector<16xf32>
          %mul3A_254 = arith.constant 16 : i32
          %mul3A_255 = arith.muli %scan3A_251, %mul3A_254 : i32
          %get3A_256 = arith.constant 0 : i32
          %get3A_257 = arith.index_cast %get3A_256 : i32 to index
          %get3A_258 = arith.index_cast %mul3A_255 : i32 to index
          %get3A_259 = tpu.vector_load %arg11[%get3A_257, %get3A_258] {strides = array<i32>} : memref<8x1024xf32, #tpu.memory_space<vmem>>, vector<1x16xf32>,
          %get3A_260 = vector.shape_cast %get3A_259 : vector<1x16xf32> to vector<16xf32>
          %mul3A_261 = arith.mulf %get3A_57, %get3A_260 : vector<16xf32>
          %add3A_262 = arith.addf %broadcast_in_dim3A_253, %mul3A_261 : vector<16xf32>
          %mul3A_263 = arith.constant 16 : i32
          %mul3A_264 = arith.muli %scan3A_251, %mul3A_263 : i32
          %get3A_265 = arith.constant 1 : i32
          %get3A_266 = arith.index_cast %get3A_265 : i32 to index
          %get3A_267 = arith.index_cast %mul3A_264 : i32 to index
          %get3A_268 = tpu.vector_load %arg11[%get3A_266, %get3A_267] {strides = array<i32>} : memref<8x1024xf32, #tpu.memory_space<vmem>>, vector<1x16xf32>,
          %get3A_269 = vector.shape_cast %get3A_268 : vector<1x16xf32> to vector<16xf32>
          %mul3A_270 = arith.mulf %get3A_60, %get3A_269 : vector<16xf32>
          %add3A_271 = arith.addf %add3A_262, %mul3A_270 : vector<16xf32>
          %mul3A_272 = arith.constant 16 : i32
          %mul3A_273 = arith.muli %scan3A_251, %mul3A_272 : i32
          %get3A_274 = arith.constant 2 : i32
          %get3A_275 = arith.index_cast %get3A_274 : i32 to index
          %get3A_276 = arith.index_cast %mul3A_273 : i32 to index
          %get3A_277 = tpu.vector_load %arg11[%get3A_275, %get3A_276] {strides = array<i32>} : memref<8x1024xf32, #tpu.memory_space<vmem>>, vector<1x16xf32>,
          %get3A_278 = vector.shape_cast %get3A_277 : vector<1x16xf32> to vector<16xf32>
          %mul3A_279 = arith.mulf %get3A_63, %get3A_278 : vector<16xf32>
          %add3A_280 = arith.addf %add3A_271, %mul3A_279 : vector<16xf32>
          %mul3A_281 = arith.constant 16 : i32
          %mul3A_282 = arith.muli %scan3A_251, %mul3A_281 : i32
          %get3A_283 = arith.constant 3 : i32
          %get3A_284 = arith.index_cast %get3A_283 : i32 to index
          %get3A_285 = arith.index_cast %mul3A_282 : i32 to index
          %get3A_286 = tpu.vector_load %arg11[%get3A_284, %get3A_285] {strides = array<i32>} : memref<8x1024xf32, #tpu.memory_space<vmem>>, vector<1x16xf32>,
          %get3A_287 = vector.shape_cast %get3A_286 : vector<1x16xf32> to vector<16xf32>
          %mul3A_288 = arith.mulf %get3A_66, %get3A_287 : vector<16xf32>
          %add3A_289 = arith.addf %add3A_280, %mul3A_288 : vector<16xf32>
          %mul3A_290 = arith.constant 16 : i32
          %mul3A_291 = arith.muli %scan3A_251, %mul3A_290 : i32
          %get3A_292 = arith.constant 4 : i32
          %get3A_293 = arith.index_cast %get3A_292 : i32 to index
          %get3A_294 = arith.index_cast %mul3A_291 : i32 to index
          %get3A_295 = tpu.vector_load %arg11[%get3A_293, %get3A_294] {strides = array<i32>} : memref<8x1024xf32, #tpu.memory_space<vmem>>, vector<1x16xf32>,
          %get3A_296 = vector.shape_cast %get3A_295 : vector<1x16xf32> to vector<16xf32>
          %mul3A_297 = arith.mulf %get3A_69, %get3A_296 : vector<16xf32>
          %add3A_298 = arith.addf %add3A_289, %mul3A_297 : vector<16xf32>
          %mul3A_299 = arith.constant 16 : i32
          %mul3A_300 = arith.muli %scan3A_251, %mul3A_299 : i32
          %get3A_301 = arith.constant 5 : i32
          %get3A_302 = arith.index_cast %get3A_301 : i32 to index
          %get3A_303 = arith.index_cast %mul3A_300 : i32 to index
          %get3A_304 = tpu.vector_load %arg11[%get3A_302, %get3A_303] {strides = array<i32>} : memref<8x1024xf32, #tpu.memory_space<vmem>>, vector<1x16xf32>,
          %get3A_305 = vector.shape_cast %get3A_304 : vector<1x16xf32> to vector<16xf32>
          %mul3A_306 = arith.mulf %get3A_72, %get3A_305 : vector<16xf32>
          %add3A_307 = arith.addf %add3A_298, %mul3A_306 : vector<16xf32>
          %mul3A_308 = arith.constant 16 : i32
          %mul3A_309 = arith.muli %scan3A_251, %mul3A_308 : i32
          %get3A_310 = arith.constant 6 : i32
          %get3A_311 = arith.index_cast %get3A_310 : i32 to index
          %get3A_312 = arith.index_cast %mul3A_309 : i32 to index
          %get3A_313 = tpu.vector_load %arg11[%get3A_311, %get3A_312] {strides = array<i32>} : memref<8x1024xf32, #tpu.memory_space<vmem>>, vector<1x16xf32>,
          %get3A_314 = vector.shape_cast %get3A_313 : vector<1x16xf32> to vector<16xf32>
          %mul3A_315 = arith.mulf %get3A_75, %get3A_314 : vector<16xf32>
          %add3A_316 = arith.addf %add3A_307, %mul3A_315 : vector<16xf32>
          %mul3A_317 = arith.constant 16 : i32
          %mul3A_318 = arith.muli %scan3A_251, %mul3A_317 : i32
          %get3A_319 = arith.constant 7 : i32
          %get3A_320 = arith.index_cast %get3A_319 : i32 to index
          %get3A_321 = arith.index_cast %mul3A_318 : i32 to index
          %get3A_322 = tpu.vector_load %arg11[%get3A_320, %get3A_321] {strides = array<i32>} : memref<8x1024xf32, #tpu.memory_space<vmem>>, vector<1x16xf32>,
          %get3A_323 = vector.shape_cast %get3A_322 : vector<1x16xf32> to vector<16xf32>
          %mul3A_324 = arith.mulf %get3A_78, %get3A_323 : vector<16xf32>
          %add3A_325 = arith.addf %add3A_316, %mul3A_324 : vector<16xf32>
          %mul3A_326 = arith.constant 16 : i32
          %mul3A_327 = arith.muli %scan3A_251, %mul3A_326 : i32
          %swap3A_328 = arith.index_cast %mul3A_327 : i32 to index
          %swap3A_329 = tpu.vector_load %arg12[%swap3A_328] {strides = array<i32>} : memref<1024xf32, #tpu.memory_space<vmem>>, vector<16xf32>,
          %swap3A_330 = vector.shape_cast %swap3A_329 : vector<16xf32> to vector<16xf32>
          %swap3A_331 = vector.shape_cast %add3A_325 : vector<16xf32> to vector<16xf32>
          tpu.vector_store %arg12[%swap3A_328], %swap3A_331 {strides = array<i32>} : memref<1024xf32, #tpu.memory_space<vmem>>, vector<16xf32>,
          %scan3A_332 = arith.constant 0 : i32
          %scan3A_333 = arith.constant 3 : i32
          %scan3A_334 = arith.addi %scan3A_86, %scan3A_333 : i32
          %broadcast_in_dim3A_335 = arith.constant 0.000000e+00 : f32
          %broadcast_in_dim3A_336 = vector.broadcast %broadcast_in_dim3A_335 : f32 to vector<16xf32>
          %mul3A_337 = arith.constant 16 : i32
          %mul3A_338 = arith.muli %scan3A_334, %mul3A_337 : i32
          %get3A_339 = arith.constant 0 : i32
          %get3A_340 = arith.index_cast %get3A_339 : i32 to index
          %get3A_341 = arith.index_cast %mul3A_338 : i32 to index
          %get3A_342 = tpu.vector_load %arg11[%get3A_340, %get3A_341] {strides = array<i32>} : memref<8x1024xf32, #tpu.memory_space<vmem>>, vector<1x16xf32>,
          %get3A_343 = vector.shape_cast %get3A_342 : vector<1x16xf32> to vector<16xf32>
          %mul3A_344 = arith.mulf %get3A_57, %get3A_343 : vector<16xf32>
          %add3A_345 = arith.addf %broadcast_in_dim3A_336, %mul3A_344 : vector<16xf32>
          %mul3A_346 = arith.constant 16 : i32
          %mul3A_347 = arith.muli %scan3A_334, %mul3A_346 : i32
          %get3A_348 = arith.constant 1 : i32
          %get3A_349 = arith.index_cast %get3A_348 : i32 to index
          %get3A_350 = arith.index_cast %mul3A_347 : i32 to index
          %get3A_351 = tpu.vector_load %arg11[%get3A_349, %get3A_350] {strides = array<i32>} : memref<8x1024xf32, #tpu.memory_space<vmem>>, vector<1x16xf32>,
          %get3A_352 = vector.shape_cast %get3A_351 : vector<1x16xf32> to vector<16xf32>
          %mul3A_353 = arith.mulf %get3A_60, %get3A_352 : vector<16xf32>
          %add3A_354 = arith.addf %add3A_345, %mul3A_353 : vector<16xf32>
          %mul3A_355 = arith.constant 16 : i32
          %mul3A_356 = arith.muli %scan3A_334, %mul3A_355 : i32
          %get3A_357 = arith.constant 2 : i32
          %get3A_358 = arith.index_cast %get3A_357 : i32 to index
          %get3A_359 = arith.index_cast %mul3A_356 : i32 to index
          %get3A_360 = tpu.vector_load %arg11[%get3A_358, %get3A_359] {strides = array<i32>} : memref<8x1024xf32, #tpu.memory_space<vmem>>, vector<1x16xf32>,
          %get3A_361 = vector.shape_cast %get3A_360 : vector<1x16xf32> to vector<16xf32>
          %mul3A_362 = arith.mulf %get3A_63, %get3A_361 : vector<16xf32>
          %add3A_363 = arith.addf %add3A_354, %mul3A_362 : vector<16xf32>
          %mul3A_364 = arith.constant 16 : i32
          %mul3A_365 = arith.muli %scan3A_334, %mul3A_364 : i32
          %get3A_366 = arith.constant 3 : i32
          %get3A_367 = arith.index_cast %get3A_366 : i32 to index
          %get3A_368 = arith.index_cast %mul3A_365 : i32 to index
          %get3A_369 = tpu.vector_load %arg11[%get3A_367, %get3A_368] {strides = array<i32>} : memref<8x1024xf32, #tpu.memory_space<vmem>>, vector<1x16xf32>,
          %get3A_370 = vector.shape_cast %get3A_369 : vector<1x16xf32> to vector<16xf32>
          %mul3A_371 = arith.mulf %get3A_66, %get3A_370 : vector<16xf32>
          %add3A_372 = arith.addf %add3A_363, %mul3A_371 : vector<16xf32>
          %mul3A_373 = arith.constant 16 : i32
          %mul3A_374 = arith.muli %scan3A_334, %mul3A_373 : i32
          %get3A_375 = arith.constant 4 : i32
          %get3A_376 = arith.index_cast %get3A_375 : i32 to index
          %get3A_377 = arith.index_cast %mul3A_374 : i32 to index
          %get3A_378 = tpu.vector_load %arg11[%get3A_376, %get3A_377] {strides = array<i32>} : memref<8x1024xf32, #tpu.memory_space<vmem>>, vector<1x16xf32>,
          %get3A_379 = vector.shape_cast %get3A_378 : vector<1x16xf32> to vector<16xf32>
          %mul3A_380 = arith.mulf %get3A_69, %get3A_379 : vector<16xf32>
          %add3A_381 = arith.addf %add3A_372, %mul3A_380 : vector<16xf32>
          %mul3A_382 = arith.constant 16 : i32
          %mul3A_383 = arith.muli %scan3A_334, %mul3A_382 : i32
          %get3A_384 = arith.constant 5 : i32
          %get3A_385 = arith.index_cast %get3A_384 : i32 to index
          %get3A_386 = arith.index_cast %mul3A_383 : i32 to index
          %get3A_387 = tpu.vector_load %arg11[%get3A_385, %get3A_386] {strides = array<i32>} : memref<8x1024xf32, #tpu.memory_space<vmem>>, vector<1x16xf32>,
          %get3A_388 = vector.shape_cast %get3A_387 : vector<1x16xf32> to vector<16xf32>
          %mul3A_389 = arith.mulf %get3A_72, %get3A_388 : vector<16xf32>
          %add3A_390 = arith.addf %add3A_381, %mul3A_389 : vector<16xf32>
          %mul3A_391 = arith.constant 16 : i32
          %mul3A_392 = arith.muli %scan3A_334, %mul3A_391 : i32
          %get3A_393 = arith.constant 6 : i32
          %get3A_394 = arith.index_cast %get3A_393 : i32 to index
          %get3A_395 = arith.index_cast %mul3A_392 : i32 to index
          %get3A_396 = tpu.vector_load %arg11[%get3A_394, %get3A_395] {strides = array<i32>} : memref<8x1024xf32, #tpu.memory_space<vmem>>, vector<1x16xf32>,
          %get3A_397 = vector.shape_cast %get3A_396 : vector<1x16xf32> to vector<16xf32>
          %mul3A_398 = arith.mulf %get3A_75, %get3A_397 : vector<16xf32>
          %add3A_399 = arith.addf %add3A_390, %mul3A_398 : vector<16xf32>
          %mul3A_400 = arith.constant 16 : i32
          %mul3A_401 = arith.muli %scan3A_334, %mul3A_400 : i32
          %get3A_402 = arith.constant 7 : i32
          %get3A_403 = arith.index_cast %get3A_402 : i32 to index
          %get3A_404 = arith.index_cast %mul3A_401 : i32 to index
          %get3A_405 = tpu.vector_load %arg11[%get3A_403, %get3A_404] {strides = array<i32>} : memref<8x1024xf32, #tpu.memory_space<vmem>>, vector<1x16xf32>,
          %get3A_406 = vector.shape_cast %get3A_405 : vector<1x16xf32> to vector<16xf32>
          %mul3A_407 = arith.mulf %get3A_78, %get3A_406 : vector<16xf32>
          %add3A_408 = arith.addf %add3A_399, %mul3A_407 : vector<16xf32>
          %mul3A_409 = arith.constant 16 : i32
          %mul3A_410 = arith.muli %scan3A_334, %mul3A_409 : i32
          %swap3A_411 = arith.index_cast %mul3A_410 : i32 to index
          %swap3A_412 = tpu.vector_load %arg12[%swap3A_411] {strides = array<i32>} : memref<1024xf32, #tpu.memory_space<vmem>>, vector<16xf32>,
          %swap3A_413 = vector.shape_cast %swap3A_412 : vector<16xf32> to vector<16xf32>
          %swap3A_414 = vector.shape_cast %add3A_408 : vector<16xf32> to vector<16xf32>
          tpu.vector_store %arg12[%swap3A_411], %swap3A_414 {strides = array<i32>} : memref<1024xf32, #tpu.memory_space<vmem>>, vector<16xf32>,
          %scan3A_415 = arith.constant 0 : i32
          scf.yield %scan3A_415 : i32
        }
        %scan3A_85 = arith.constant 64 : i32
        "tpu.region"() ({
          %run_scoped3A = tpu.sem_alloc : memref<!tpu.dma_semaphore, #tpu.memory_space<semaphore_mem>>
          %dma_start3A_86 = arith.constant 0 : i32
          %dma_start3A_87 = tpu.memref_slice %arg7[%add3A_11, %dma_start3A_86] : memref<101x1024xf32, #tpu.memory_space<hbm>> -> memref<1x1024xf32, #tpu.memory_space<hbm>>
          %dma_start3A_88 = tpu.memref_squeeze %dma_start3A_87 : memref<1x1024xf32, #tpu.memory_space<hbm>> -> memref<1024xf32, #tpu.memory_space<hbm>>
          %dma_start3A_89 = arith.constant 0 : i32
          %dma_start3A_90 = tpu.memref_slice %arg7[%add3A_11, %dma_start3A_89] : memref<101x1024xf32, #tpu.memory_space<hbm>> -> memref<1x1024xf32, #tpu.memory_space<hbm>>
          %dma_start3A_91 = tpu.memref_squeeze %dma_start3A_90 : memref<1x1024xf32, #tpu.memory_space<hbm>> -> memref<1024xf32, #tpu.memory_space<hbm>>
          tpu.enqueue_dma source(%arg12 : memref<1024xf32, #tpu.memory_space<vmem>>) target(%dma_start3A_91 : memref<1024xf32, #tpu.memory_space<hbm>>) target_semaphore(%run_scoped3A : memref<!tpu.dma_semaphore, #tpu.memory_space<semaphore_mem>>)
          %dma_wait3A_92 = arith.constant 0 : i32
          %dma_wait3A_93 = tpu.memref_slice %arg7[%add3A_11, %dma_wait3A_92] : memref<101x1024xf32, #tpu.memory_space<hbm>> -> memref<1x1024xf32, #tpu.memory_space<hbm>>
          %dma_wait3A_94 = tpu.memref_squeeze %dma_wait3A_93 : memref<1x1024xf32, #tpu.memory_space<hbm>> -> memref<1024xf32, #tpu.memory_space<hbm>>
          %dma_wait3A_95 = arith.constant 0 : i32
          %dma_wait3A_96 = tpu.memref_slice %arg7[%add3A_11, %dma_wait3A_95] : memref<101x1024xf32, #tpu.memory_space<hbm>> -> memref<1x1024xf32, #tpu.memory_space<hbm>>
          %dma_wait3A_97 = tpu.memref_squeeze %dma_wait3A_96 : memref<1x1024xf32, #tpu.memory_space<hbm>> -> memref<1024xf32, #tpu.memory_space<hbm>>
          tpu.wait_dma2 semaphore(%run_scoped3A : memref<!tpu.dma_semaphore, #tpu.memory_space<semaphore_mem>>) src(%arg12 : memref<1024xf32, #tpu.memory_space<vmem>>) dst(%dma_wait3A_97 : memref<1024xf32, #tpu.memory_space<hbm>>)
          tpu.yield
        }) : () -> ()
      } else {
      }
      %scan3A_14 = arith.constant 0 : i32
      scf.yield %scan3A_14 : i32
    }
    %scan3A_6 = arith.constant 4 : i32
    return
  }
}

module attributes {stable_mosaic.version = 14 : i64} {
  func.func @_select_kernel(%arg0: i32, %arg1: i32, %arg2: memref<101xi32, #tpu.memory_space<smem>>, %arg3: memref<1x64x101xf32, #tpu.memory_space<vmem>>, %arg4: memref<1x64x101xf32, #tpu.memory_space<vmem>>, %arg5: memref<1x1x8xi32, #tpu.memory_space<vmem>>, %arg6: memref<1x1x128xf32, #tpu.memory_space<vmem>>, %arg7: memref<8x64xf32, #tpu.memory_space<vmem>>) attributes {dimension_semantics = [#tpu.dimension_semantics<arbitrary>, #tpu.dimension_semantics<arbitrary>], iteration_bounds = array<i64: 101, 8>, scalar_prefetch = 1 : i64, scratch_operands = 1 : i64, tpu.core_type = #tpu.core_type<tc>, window_params = [{transform_indices = @transform_0, window_bounds = array<i64: 1, 64, 101>}, {transform_indices = @transform_1, window_bounds = array<i64: 1, 64, 101>}, {transform_indices = @transform_2, window_bounds = array<i64: 1, 1, 8>}, {transform_indices = @transform_3, window_bounds = array<i64: 1, 1, 128>}]} {
    %get3A = arith.index_cast %arg0 : i32 to index
    %get3A_0 = memref.load %arg2[%get3A] : memref<101xi32, #tpu.memory_space<smem>>
    %mul3A = arith.constant 64 : i32
    %mul3A_1 = arith.muli %arg1, %mul3A : i32
    %lt3A = arith.cmpi slt, %mul3A_1, %get3A_0 : i32
    %convert_element_type3A = arith.extui %lt3A : i1 to i32
    %cond3A = arith.constant 0 : i32
    %cond3A_2 = arith.cmpi ne, %convert_element_type3A, %cond3A : i32
    scf.if %cond3A_2 {
      %get3A_10 = arith.constant 0 : index
      %get3A_11 = arith.constant 0 : index
      %get3A_12 = arith.constant 0 : index
      %get3A_13 = vector.load %arg3[%get3A_10, %get3A_11, %get3A_12] : memref<1x64x101xf32, #tpu.memory_space<vmem>>, vector<1x64x101xf32>
      %get3A_14 = vector.shape_cast %get3A_13 : vector<1x64x101xf32> to vector<64x101xf32>
      %reduce_max3A = arith.constant dense<0xFF800000> : vector<64xf32>
      %reduce_max3A_15 = vector.multi_reduction <maximumf>, %get3A_14, %reduce_max3A [1] : vector<64x101xf32> to vector<64xf32>
      %broadcast_in_dim3A = vector.shape_cast %reduce_max3A_15 : vector<64xf32> to vector<64x1xf32>
      %sub3A = vector.broadcast %broadcast_in_dim3A : vector<64x1xf32> to vector<64x101xf32>
      %sub3A_16 = arith.subf %get3A_14, %sub3A : vector<64x101xf32>
      %exp3A = math.exp %sub3A_16 : vector<64x101xf32>
      %reduce_sum3A = arith.constant dense<0.000000e+00> : vector<64xf32>
      %reduce_sum3A_17 = vector.multi_reduction <add>, %exp3A, %reduce_sum3A [1] : vector<64x101xf32> to vector<64xf32>
      %broadcast_in_dim3A_18 = vector.shape_cast %reduce_sum3A_17 : vector<64xf32> to vector<64x1xf32>
      %div3A = vector.broadcast %broadcast_in_dim3A_18 : vector<64x1xf32> to vector<64x101xf32>
      %div3A_19 = arith.divf %exp3A, %div3A : vector<64x101xf32>
      %add3A = arith.constant 9.99999993E-9 : f32
      %add3A_20 = vector.broadcast %add3A : f32 to vector<64x101xf32>
      %add3A_21 = arith.addf %div3A_19, %add3A_20 : vector<64x101xf32>
      %log3A = math.log %add3A_21 : vector<64x101xf32>
      %mul3A_22 = arith.mulf %div3A_19, %log3A : vector<64x101xf32>
      %reduce_sum3A_23 = arith.constant dense<0.000000e+00> : vector<64xf32>
      %reduce_sum3A_24 = vector.multi_reduction <add>, %mul3A_22, %reduce_sum3A_23 [1] : vector<64x101xf32> to vector<64xf32>
      %broadcast_in_dim3A_25 = vector.shape_cast %reduce_sum3A_24 : vector<64xf32> to vector<64x1xf32>
      %neg3A = arith.constant 0.000000e+00 : f32
      %neg3A_26 = vector.broadcast %neg3A : f32 to vector<64x1xf32>
      %neg3A_27 = arith.subf %neg3A_26, %broadcast_in_dim3A_25 : vector<64x1xf32>
      %get3A_28 = arith.constant 0 : index
      %get3A_29 = arith.constant 0 : index
      %get3A_30 = arith.constant 0 : index
      %get3A_31 = vector.load %arg4[%get3A_28, %get3A_29, %get3A_30] : memref<1x64x101xf32, #tpu.memory_space<vmem>>, vector<1x64x101xf32>
      %get3A_32 = vector.shape_cast %get3A_31 : vector<1x64x101xf32> to vector<64x101xf32>
      %reduce_max3A_33 = arith.constant dense<0xFF800000> : vector<64xf32>
      %reduce_max3A_34 = vector.multi_reduction <maximumf>, %get3A_32, %reduce_max3A_33 [1] : vector<64x101xf32> to vector<64xf32>
      %broadcast_in_dim3A_35 = vector.shape_cast %reduce_max3A_34 : vector<64xf32> to vector<64x1xf32>
      %sub3A_36 = vector.broadcast %broadcast_in_dim3A_35 : vector<64x1xf32> to vector<64x101xf32>
      %sub3A_37 = arith.subf %get3A_32, %sub3A_36 : vector<64x101xf32>
      %exp3A_38 = math.exp %sub3A_37 : vector<64x101xf32>
      %reduce_sum3A_39 = arith.constant dense<0.000000e+00> : vector<64xf32>
      %reduce_sum3A_40 = vector.multi_reduction <add>, %exp3A_38, %reduce_sum3A_39 [1] : vector<64x101xf32> to vector<64xf32>
      %broadcast_in_dim3A_41 = vector.shape_cast %reduce_sum3A_40 : vector<64xf32> to vector<64x1xf32>
      %div3A_42 = vector.broadcast %broadcast_in_dim3A_41 : vector<64x1xf32> to vector<64x101xf32>
      %div3A_43 = arith.divf %exp3A_38, %div3A_42 : vector<64x101xf32>
      %add3A_44 = arith.constant 9.99999993E-9 : f32
      %add3A_45 = vector.broadcast %add3A_44 : f32 to vector<64x101xf32>
      %add3A_46 = arith.addf %div3A_43, %add3A_45 : vector<64x101xf32>
      %log3A_47 = math.log %add3A_46 : vector<64x101xf32>
      %mul3A_48 = arith.mulf %div3A_43, %log3A_47 : vector<64x101xf32>
      %reduce_sum3A_49 = arith.constant dense<0.000000e+00> : vector<64xf32>
      %reduce_sum3A_50 = vector.multi_reduction <add>, %mul3A_48, %reduce_sum3A_49 [1] : vector<64x101xf32> to vector<64xf32>
      %broadcast_in_dim3A_51 = vector.shape_cast %reduce_sum3A_50 : vector<64xf32> to vector<64x1xf32>
      %neg3A_52 = arith.constant 0.000000e+00 : f32
      %neg3A_53 = vector.broadcast %neg3A_52 : f32 to vector<64x1xf32>
      %neg3A_54 = arith.subf %neg3A_53, %broadcast_in_dim3A_51 : vector<64x1xf32>
      %add3A_55 = arith.addf %neg3A_27, %neg3A_54 : vector<64x1xf32>
      %mul3A_56 = arith.constant 5.000000e-01 : f32
      %mul3A_57 = vector.broadcast %mul3A_56 : f32 to vector<64x1xf32>
      %mul3A_58 = arith.mulf %add3A_55, %mul3A_57 : vector<64x1xf32>
      %iota3A = tpu.iota {dimensions = array<i32: 0>} : vector<64x1xi32>
      %add3A_59 = vector.broadcast %mul3A_1 : i32 to vector<64x1xi32>
      %add3A_60 = arith.addi %add3A_59, %iota3A : vector<64x1xi32>
      %lt3A_61 = vector.broadcast %get3A_0 : i32 to vector<64x1xi32>
      %lt3A_62 = arith.cmpi slt, %add3A_60, %lt3A_61 : vector<64x1xi32>
      %jit3A = arith.constant 1.000000e+30 : f32
      %broadcast_in_dim3A_63 = vector.broadcast %jit3A : f32 to vector<64x1xf32>
      %select_n3A = arith.select %lt3A_62, %mul3A_58, %broadcast_in_dim3A_63 : vector<64x1xi1>, vector<64x1xf32>
      %iota3A_64 = tpu.iota {dimensions = array<i32: 0>} : vector<64x64xi32>
      %iota3A_65 = tpu.iota {dimensions = array<i32: 1>} : vector<64x64xi32>
      %eq3A_66 = arith.cmpi eq, %iota3A_64, %iota3A_65 : vector<64x64xi32>
      %convert_element_type3A_67 = arith.extui %eq3A_66 : vector<64x64xi1> to vector<64x64xi32>
      %convert_element_type3A_68 = arith.sitofp %convert_element_type3A_67 : vector<64x64xi32> to vector<64x64xf32>
      %dot_general3A = arith.constant dense<0.000000e+00> : vector<1x64xf32>
      %dot_general3A_69 = tpu.matmul %select_n3A, %convert_element_type3A_68, %dot_general3A {dimension_numbers = #tpu.dot_dimension_numbers<[0], [0], [1], [1], [0, 1, 1, 1], [], []>, precision = #tpu.contract_precision<fp32>, transpose_lhs_hint = false} : vector<64x1xf32>, vector<64x64xf32>, vector<1x64xf32> -> vector<1x64xf32>
      %swap3A = arith.index_cast %arg1 : i32 to index
      %swap3A_70 = arith.constant 0 : index
      %swap3A_71 = vector.load %arg7[%swap3A, %swap3A_70] : memref<8x64xf32, #tpu.memory_space<vmem>>, vector<1x64xf32>
      tpu.vector_store %arg7[%swap3A, %swap3A_70], %dot_general3A_69 {strides = array<i32>} : memref<8x64xf32, #tpu.memory_space<vmem>>, vector<1x64xf32>,
    } else {
    }
    %ge3A = arith.cmpi sge, %mul3A_1, %get3A_0 : i32
    %convert_element_type3A_3 = arith.extui %ge3A : i1 to i32
    %cond3A_4 = arith.constant 0 : i32
    %cond3A_5 = arith.cmpi ne, %convert_element_type3A_3, %cond3A_4 : i32
    scf.if %cond3A_5 {
      %broadcast_in_dim3A = arith.constant 1.000000e+30 : f32
      %broadcast_in_dim3A_10 = vector.broadcast %broadcast_in_dim3A : f32 to vector<1x64xf32>
      %swap3A = arith.index_cast %arg1 : i32 to index
      %swap3A_11 = arith.constant 0 : index
      %swap3A_12 = vector.load %arg7[%swap3A, %swap3A_11] : memref<8x64xf32, #tpu.memory_space<vmem>>, vector<1x64xf32>
      tpu.vector_store %arg7[%swap3A, %swap3A_11], %broadcast_in_dim3A_10 {strides = array<i32>} : memref<8x64xf32, #tpu.memory_space<vmem>>, vector<1x64xf32>,
    } else {
    }
    %eq3A = arith.constant 7 : i32
    %eq3A_6 = arith.cmpi eq, %arg1, %eq3A : i32
    %convert_element_type3A_7 = arith.extui %eq3A_6 : i1 to i32
    %cond3A_8 = arith.constant 0 : i32
    %cond3A_9 = arith.cmpi ne, %convert_element_type3A_7, %cond3A_8 : i32
    scf.if %cond3A_9 {
      %get3A_10 = arith.constant 0 : index
      %get3A_11 = arith.constant 0 : index
      %get3A_12 = vector.load %arg7[%get3A_10, %get3A_11] : memref<8x64xf32, #tpu.memory_space<vmem>>, vector<8x64xf32>
      %iota3A = tpu.iota {dimensions = array<i32: 0>} : vector<8x64xi32>
      %mul3A_13 = arith.constant 64 : i32
      %mul3A_14 = vector.broadcast %mul3A_13 : i32 to vector<8x64xi32>
      %mul3A_15 = arith.muli %iota3A, %mul3A_14 : vector<8x64xi32>
      %iota3A_16 = tpu.iota {dimensions = array<i32: 1>} : vector<8x64xi32>
      %add3A = arith.addi %mul3A_15, %iota3A_16 : vector<8x64xi32>
      %reduce_min3A = vector.shape_cast %get3A_12 : vector<8x64xf32> to vector<1x8x64xf32>
      %reduce_min3A_17 = arith.constant dense<0x7F800000> : vector<1xf32>
      %reduce_min3A_18 = vector.multi_reduction <minimumf>, %reduce_min3A, %reduce_min3A_17 [1, 2] : vector<1x8x64xf32> to vector<1xf32>
      %reduce_min3A_19 = vector.shape_cast %reduce_min3A_18 : vector<1xf32> to vector<1x1x1xf32>
      %reduce_min3A_20 = vector.extract %reduce_min3A_19[0, 0, 0] : f32 from vector<1x1x1xf32>
      %eq3A_21 = vector.broadcast %reduce_min3A_20 : f32 to vector<8x64xf32>
      %eq3A_22 = arith.cmpf oeq, %get3A_12, %eq3A_21 : vector<8x64xf32>
      %jit3A = arith.constant 512 : i32
      %broadcast_in_dim3A = vector.broadcast %jit3A : i32 to vector<8x64xi32>
      %select_n3A = arith.select %eq3A_22, %add3A, %broadcast_in_dim3A : vector<8x64xi1>, vector<8x64xi32>
      %reduce_min3A_23 = vector.shape_cast %select_n3A : vector<8x64xi32> to vector<1x8x64xi32>
      %reduce_min3A_24 = arith.constant dense<2147483647> : vector<1xi32>
      %reduce_min3A_25 = vector.multi_reduction <minsi>, %reduce_min3A_23, %reduce_min3A_24 [1, 2] : vector<1x8x64xi32> to vector<1xi32>
      %reduce_min3A_26 = vector.shape_cast %reduce_min3A_25 : vector<1xi32> to vector<1x1x1xi32>
      %reduce_min3A_27 = vector.extract %reduce_min3A_26[0, 0, 0] : i32 from vector<1x1x1xi32>
      %eq3A_28 = vector.broadcast %reduce_min3A_27 : i32 to vector<8x64xi32>
      %eq3A_29 = arith.cmpi eq, %add3A, %eq3A_28 : vector<8x64xi32>
      %jit3A_30 = arith.constant 1.000000e+30 : f32
      %broadcast_in_dim3A_31 = vector.broadcast %jit3A_30 : f32 to vector<8x64xf32>
      %select_n3A_32 = arith.select %eq3A_29, %broadcast_in_dim3A_31, %get3A_12 : vector<8x64xi1>, vector<8x64xf32>
      %reduce_min3A_33 = vector.shape_cast %select_n3A_32 : vector<8x64xf32> to vector<1x8x64xf32>
      %reduce_min3A_34 = arith.constant dense<0x7F800000> : vector<1xf32>
      %reduce_min3A_35 = vector.multi_reduction <minimumf>, %reduce_min3A_33, %reduce_min3A_34 [1, 2] : vector<1x8x64xf32> to vector<1xf32>
      %reduce_min3A_36 = vector.shape_cast %reduce_min3A_35 : vector<1xf32> to vector<1x1x1xf32>
      %reduce_min3A_37 = vector.extract %reduce_min3A_36[0, 0, 0] : f32 from vector<1x1x1xf32>
      %eq3A_38 = vector.broadcast %reduce_min3A_37 : f32 to vector<8x64xf32>
      %eq3A_39 = arith.cmpf oeq, %select_n3A_32, %eq3A_38 : vector<8x64xf32>
      %jit3A_40 = arith.constant 512 : i32
      %broadcast_in_dim3A_41 = vector.broadcast %jit3A_40 : i32 to vector<8x64xi32>
      %select_n3A_42 = arith.select %eq3A_39, %add3A, %broadcast_in_dim3A_41 : vector<8x64xi1>, vector<8x64xi32>
      %reduce_min3A_43 = vector.shape_cast %select_n3A_42 : vector<8x64xi32> to vector<1x8x64xi32>
      %reduce_min3A_44 = arith.constant dense<2147483647> : vector<1xi32>
      %reduce_min3A_45 = vector.multi_reduction <minsi>, %reduce_min3A_43, %reduce_min3A_44 [1, 2] : vector<1x8x64xi32> to vector<1xi32>
      %reduce_min3A_46 = vector.shape_cast %reduce_min3A_45 : vector<1xi32> to vector<1x1x1xi32>
      %reduce_min3A_47 = vector.extract %reduce_min3A_46[0, 0, 0] : i32 from vector<1x1x1xi32>
      %eq3A_48 = vector.broadcast %reduce_min3A_47 : i32 to vector<8x64xi32>
      %eq3A_49 = arith.cmpi eq, %add3A, %eq3A_48 : vector<8x64xi32>
      %jit3A_50 = arith.constant 1.000000e+30 : f32
      %broadcast_in_dim3A_51 = vector.broadcast %jit3A_50 : f32 to vector<8x64xf32>
      %select_n3A_52 = arith.select %eq3A_49, %broadcast_in_dim3A_51, %select_n3A_32 : vector<8x64xi1>, vector<8x64xf32>
      %reduce_min3A_53 = vector.shape_cast %select_n3A_52 : vector<8x64xf32> to vector<1x8x64xf32>
      %reduce_min3A_54 = arith.constant dense<0x7F800000> : vector<1xf32>
      %reduce_min3A_55 = vector.multi_reduction <minimumf>, %reduce_min3A_53, %reduce_min3A_54 [1, 2] : vector<1x8x64xf32> to vector<1xf32>
      %reduce_min3A_56 = vector.shape_cast %reduce_min3A_55 : vector<1xf32> to vector<1x1x1xf32>
      %reduce_min3A_57 = vector.extract %reduce_min3A_56[0, 0, 0] : f32 from vector<1x1x1xf32>
      %eq3A_58 = vector.broadcast %reduce_min3A_57 : f32 to vector<8x64xf32>
      %eq3A_59 = arith.cmpf oeq, %select_n3A_52, %eq3A_58 : vector<8x64xf32>
      %jit3A_60 = arith.constant 512 : i32
      %broadcast_in_dim3A_61 = vector.broadcast %jit3A_60 : i32 to vector<8x64xi32>
      %select_n3A_62 = arith.select %eq3A_59, %add3A, %broadcast_in_dim3A_61 : vector<8x64xi1>, vector<8x64xi32>
      %reduce_min3A_63 = vector.shape_cast %select_n3A_62 : vector<8x64xi32> to vector<1x8x64xi32>
      %reduce_min3A_64 = arith.constant dense<2147483647> : vector<1xi32>
      %reduce_min3A_65 = vector.multi_reduction <minsi>, %reduce_min3A_63, %reduce_min3A_64 [1, 2] : vector<1x8x64xi32> to vector<1xi32>
      %reduce_min3A_66 = vector.shape_cast %reduce_min3A_65 : vector<1xi32> to vector<1x1x1xi32>
      %reduce_min3A_67 = vector.extract %reduce_min3A_66[0, 0, 0] : i32 from vector<1x1x1xi32>
      %eq3A_68 = vector.broadcast %reduce_min3A_67 : i32 to vector<8x64xi32>
      %eq3A_69 = arith.cmpi eq, %add3A, %eq3A_68 : vector<8x64xi32>
      %jit3A_70 = arith.constant 1.000000e+30 : f32
      %broadcast_in_dim3A_71 = vector.broadcast %jit3A_70 : f32 to vector<8x64xf32>
      %select_n3A_72 = arith.select %eq3A_69, %broadcast_in_dim3A_71, %select_n3A_52 : vector<8x64xi1>, vector<8x64xf32>
      %reduce_min3A_73 = vector.shape_cast %select_n3A_72 : vector<8x64xf32> to vector<1x8x64xf32>
      %reduce_min3A_74 = arith.constant dense<0x7F800000> : vector<1xf32>
      %reduce_min3A_75 = vector.multi_reduction <minimumf>, %reduce_min3A_73, %reduce_min3A_74 [1, 2] : vector<1x8x64xf32> to vector<1xf32>
      %reduce_min3A_76 = vector.shape_cast %reduce_min3A_75 : vector<1xf32> to vector<1x1x1xf32>
      %reduce_min3A_77 = vector.extract %reduce_min3A_76[0, 0, 0] : f32 from vector<1x1x1xf32>
      %eq3A_78 = vector.broadcast %reduce_min3A_77 : f32 to vector<8x64xf32>
      %eq3A_79 = arith.cmpf oeq, %select_n3A_72, %eq3A_78 : vector<8x64xf32>
      %jit3A_80 = arith.constant 512 : i32
      %broadcast_in_dim3A_81 = vector.broadcast %jit3A_80 : i32 to vector<8x64xi32>
      %select_n3A_82 = arith.select %eq3A_79, %add3A, %broadcast_in_dim3A_81 : vector<8x64xi1>, vector<8x64xi32>
      %reduce_min3A_83 = vector.shape_cast %select_n3A_82 : vector<8x64xi32> to vector<1x8x64xi32>
      %reduce_min3A_84 = arith.constant dense<2147483647> : vector<1xi32>
      %reduce_min3A_85 = vector.multi_reduction <minsi>, %reduce_min3A_83, %reduce_min3A_84 [1, 2] : vector<1x8x64xi32> to vector<1xi32>
      %reduce_min3A_86 = vector.shape_cast %reduce_min3A_85 : vector<1xi32> to vector<1x1x1xi32>
      %reduce_min3A_87 = vector.extract %reduce_min3A_86[0, 0, 0] : i32 from vector<1x1x1xi32>
      %eq3A_88 = vector.broadcast %reduce_min3A_87 : i32 to vector<8x64xi32>
      %eq3A_89 = arith.cmpi eq, %add3A, %eq3A_88 : vector<8x64xi32>
      %jit3A_90 = arith.constant 1.000000e+30 : f32
      %broadcast_in_dim3A_91 = vector.broadcast %jit3A_90 : f32 to vector<8x64xf32>
      %select_n3A_92 = arith.select %eq3A_89, %broadcast_in_dim3A_91, %select_n3A_72 : vector<8x64xi1>, vector<8x64xf32>
      %reduce_min3A_93 = vector.shape_cast %select_n3A_92 : vector<8x64xf32> to vector<1x8x64xf32>
      %reduce_min3A_94 = arith.constant dense<0x7F800000> : vector<1xf32>
      %reduce_min3A_95 = vector.multi_reduction <minimumf>, %reduce_min3A_93, %reduce_min3A_94 [1, 2] : vector<1x8x64xf32> to vector<1xf32>
      %reduce_min3A_96 = vector.shape_cast %reduce_min3A_95 : vector<1xf32> to vector<1x1x1xf32>
      %reduce_min3A_97 = vector.extract %reduce_min3A_96[0, 0, 0] : f32 from vector<1x1x1xf32>
      %eq3A_98 = vector.broadcast %reduce_min3A_97 : f32 to vector<8x64xf32>
      %eq3A_99 = arith.cmpf oeq, %select_n3A_92, %eq3A_98 : vector<8x64xf32>
      %jit3A_100 = arith.constant 512 : i32
      %broadcast_in_dim3A_101 = vector.broadcast %jit3A_100 : i32 to vector<8x64xi32>
      %select_n3A_102 = arith.select %eq3A_99, %add3A, %broadcast_in_dim3A_101 : vector<8x64xi1>, vector<8x64xi32>
      %reduce_min3A_103 = vector.shape_cast %select_n3A_102 : vector<8x64xi32> to vector<1x8x64xi32>
      %reduce_min3A_104 = arith.constant dense<2147483647> : vector<1xi32>
      %reduce_min3A_105 = vector.multi_reduction <minsi>, %reduce_min3A_103, %reduce_min3A_104 [1, 2] : vector<1x8x64xi32> to vector<1xi32>
      %reduce_min3A_106 = vector.shape_cast %reduce_min3A_105 : vector<1xi32> to vector<1x1x1xi32>
      %reduce_min3A_107 = vector.extract %reduce_min3A_106[0, 0, 0] : i32 from vector<1x1x1xi32>
      %iota3A_108 = tpu.iota {dimensions = array<i32: 2>} : vector<1x1x8xi32>
      %broadcast_in_dim3A_109 = arith.constant 0 : i32
      %broadcast_in_dim3A_110 = vector.broadcast %broadcast_in_dim3A_109 : i32 to vector<1x1x8xi32>
      %eq3A_111 = arith.constant 0 : i32
      %eq3A_112 = vector.broadcast %eq3A_111 : i32 to vector<1x1x8xi32>
      %eq3A_113 = arith.cmpi eq, %iota3A_108, %eq3A_112 : vector<1x1x8xi32>
      %broadcast_in_dim3A_114 = vector.broadcast %reduce_min3A_27 : i32 to vector<1x1x8xi32>
      %select_n3A_115 = arith.select %eq3A_113, %broadcast_in_dim3A_114, %broadcast_in_dim3A_110 : vector<1x1x8xi1>, vector<1x1x8xi32>
      %eq3A_116 = arith.constant 1 : i32
      %eq3A_117 = vector.broadcast %eq3A_116 : i32 to vector<1x1x8xi32>
      %eq3A_118 = arith.cmpi eq, %iota3A_108, %eq3A_117 : vector<1x1x8xi32>
      %broadcast_in_dim3A_119 = vector.broadcast %reduce_min3A_47 : i32 to vector<1x1x8xi32>
      %select_n3A_120 = arith.select %eq3A_118, %broadcast_in_dim3A_119, %select_n3A_115 : vector<1x1x8xi1>, vector<1x1x8xi32>
      %eq3A_121 = arith.constant 2 : i32
      %eq3A_122 = vector.broadcast %eq3A_121 : i32 to vector<1x1x8xi32>
      %eq3A_123 = arith.cmpi eq, %iota3A_108, %eq3A_122 : vector<1x1x8xi32>
      %broadcast_in_dim3A_124 = vector.broadcast %reduce_min3A_67 : i32 to vector<1x1x8xi32>
      %select_n3A_125 = arith.select %eq3A_123, %broadcast_in_dim3A_124, %select_n3A_120 : vector<1x1x8xi1>, vector<1x1x8xi32>
      %eq3A_126 = arith.constant 3 : i32
      %eq3A_127 = vector.broadcast %eq3A_126 : i32 to vector<1x1x8xi32>
      %eq3A_128 = arith.cmpi eq, %iota3A_108, %eq3A_127 : vector<1x1x8xi32>
      %broadcast_in_dim3A_129 = vector.broadcast %reduce_min3A_87 : i32 to vector<1x1x8xi32>
      %select_n3A_130 = arith.select %eq3A_128, %broadcast_in_dim3A_129, %select_n3A_125 : vector<1x1x8xi1>, vector<1x1x8xi32>
      %eq3A_131 = arith.constant 4 : i32
      %eq3A_132 = vector.broadcast %eq3A_131 : i32 to vector<1x1x8xi32>
      %eq3A_133 = arith.cmpi eq, %iota3A_108, %eq3A_132 : vector<1x1x8xi32>
      %broadcast_in_dim3A_134 = vector.broadcast %reduce_min3A_107 : i32 to vector<1x1x8xi32>
      %select_n3A_135 = arith.select %eq3A_133, %broadcast_in_dim3A_134, %select_n3A_130 : vector<1x1x8xi1>, vector<1x1x8xi32>
      %gt3A = arith.constant 5 : i32
      %gt3A_136 = arith.cmpi sgt, %get3A_0, %gt3A : i32
      %select_n3A_137 = arith.select %gt3A_136, %select_n3A_135, %iota3A_108 : vector<1x1x8xi32>
      %max3A = arith.constant 1 : i32
      %max3A_138 = arith.maxsi %get3A_0, %max3A : i32
      %convert_element_type3A_139 = arith.sitofp %max3A_138 : i32 to f32
      %iota3A_140 = tpu.iota {dimensions = array<i32: 2>} : vector<1x1x128xi32>
      %jit3A_141 = arith.constant 16 : i32
      %div3A = vector.broadcast %jit3A_141 : i32 to vector<1x1x128xi32>
      %div3A_142 = arith.divsi %iota3A_140, %div3A : vector<1x1x128xi32>
      %sign3A = arith.constant 0 : i32
      %sign3A_143 = vector.broadcast %sign3A : i32 to vector<1x1x128xi32>
      %sign3A_144 = arith.cmpi sgt, %iota3A_140, %sign3A_143 : vector<1x1x128xi32>
      %sign3A_145 = arith.extui %sign3A_144 : vector<1x1x128xi1> to vector<1x1x128xi32>
      %sign3A_146 = arith.constant 0 : i32
      %sign3A_147 = vector.broadcast %sign3A_146 : i32 to vector<1x1x128xi32>
      %sign3A_148 = arith.cmpi slt, %iota3A_140, %sign3A_147 : vector<1x1x128xi32>
      %sign3A_149 = arith.extui %sign3A_148 : vector<1x1x128xi1> to vector<1x1x128xi32>
      %sign3A_150 = arith.subi %sign3A_145, %sign3A_149 : vector<1x1x128xi32>
      %sign3A_151 = arith.constant 0 : i32
      %sign3A_152 = arith.cmpi sgt, %jit3A_141, %sign3A_151 : i32
      %sign3A_153 = arith.extui %sign3A_152 : i1 to i32
      %sign3A_154 = arith.constant 0 : i32
      %sign3A_155 = arith.cmpi slt, %jit3A_141, %sign3A_154 : i32
      %sign3A_156 = arith.extui %sign3A_155 : i1 to i32
      %sign3A_157 = arith.subi %sign3A_153, %sign3A_156 : i32
      %ne3A = vector.broadcast %sign3A_157 : i32 to vector<1x1x128xi32>
      %ne3A_158 = arith.cmpi ne, %sign3A_150, %ne3A : vector<1x1x128xi32>
      %rem3A = vector.broadcast %jit3A_141 : i32 to vector<1x1x128xi32>
      %rem3A_159 = arith.remsi %iota3A_140, %rem3A : vector<1x1x128xi32>
      %ne3A_160 = arith.constant 0 : i32
      %ne3A_161 = vector.broadcast %ne3A_160 : i32 to vector<1x1x128xi32>
      %ne3A_162 = arith.cmpi ne, %rem3A_159, %ne3A_161 : vector<1x1x128xi32>
      %and3A = arith.andi %ne3A_158, %ne3A_162 : vector<1x1x128xi1>
      %sub3A = arith.constant 1 : i32
      %sub3A_163 = vector.broadcast %sub3A : i32 to vector<1x1x128xi32>
      %sub3A_164 = arith.subi %div3A_142, %sub3A_163 : vector<1x1x128xi32>
      %select_n3A_165 = arith.select %and3A, %sub3A_164, %div3A_142 : vector<1x1x128xi1>, vector<1x1x128xi32>
      %lt3A_166 = vector.broadcast %get3A_0 : i32 to vector<1x1x128xi32>
      %lt3A_167 = arith.cmpi slt, %select_n3A_165, %lt3A_166 : vector<1x1x128xi32>
      %div3A_168 = arith.constant 1.000000e+00 : f32
      %div3A_169 = arith.divf %div3A_168, %convert_element_type3A_139 : f32
      %jit3A_170 = arith.constant 0.000000e+00 : f32
      %broadcast_in_dim3A_171 = vector.broadcast %div3A_169 : f32 to vector<1x1x128xf32>
      %broadcast_in_dim3A_172 = vector.broadcast %jit3A_170 : f32 to vector<1x1x128xf32>
      %select_n3A_173 = arith.select %lt3A_167, %broadcast_in_dim3A_171, %broadcast_in_dim3A_172 : vector<1x1x128xi1>, vector<1x1x128xf32>
      %lt3A_174 = arith.constant 5 : i32
      %lt3A_175 = vector.broadcast %lt3A_174 : i32 to vector<1x1x128xi32>
      %lt3A_176 = arith.cmpi slt, %select_n3A_165, %lt3A_175 : vector<1x1x128xi32>
      %jit3A_177 = arith.constant 2.000000e-01 : f32
      %jit3A_178 = arith.constant 0.000000e+00 : f32
      %broadcast_in_dim3A_179 = vector.broadcast %jit3A_177 : f32 to vector<1x1x128xf32>
      %broadcast_in_dim3A_180 = vector.broadcast %jit3A_178 : f32 to vector<1x1x128xf32>
      %select_n3A_181 = arith.select %lt3A_176, %broadcast_in_dim3A_179, %broadcast_in_dim3A_180 : vector<1x1x128xi1>, vector<1x1x128xf32>
      %mul3A_182 = arith.constant 512 : i32
      %mul3A_183 = arith.muli %arg0, %mul3A_182 : i32
      %add3A_184 = vector.broadcast %mul3A_183 : i32 to vector<1x1x8xi32>
      %add3A_185 = arith.addi %add3A_184, %select_n3A_137 : vector<1x1x8xi32>
      %swap3A = arith.constant 0 : index
      %swap3A_186 = arith.constant 0 : index
      %swap3A_187 = arith.constant 0 : index
      %swap3A_188 = vector.load %arg5[%swap3A, %swap3A_186, %swap3A_187] : memref<1x1x8xi32, #tpu.memory_space<vmem>>, vector<1x1x8xi32>
      tpu.vector_store %arg5[%swap3A, %swap3A_186, %swap3A_187], %add3A_185 {strides = array<i32>} : memref<1x1x8xi32, #tpu.memory_space<vmem>>, vector<1x1x8xi32>,
      %select_n3A_189 = arith.select %gt3A_136, %select_n3A_181, %select_n3A_173 : vector<1x1x128xf32>
      %swap3A_190 = arith.constant 0 : index
      %swap3A_191 = arith.constant 0 : index
      %swap3A_192 = arith.constant 0 : index
      %swap3A_193 = vector.load %arg6[%swap3A_190, %swap3A_191, %swap3A_192] : memref<1x1x128xf32, #tpu.memory_space<vmem>>, vector<1x1x128xf32>
      tpu.vector_store %arg6[%swap3A_190, %swap3A_191, %swap3A_192], %select_n3A_189 {strides = array<i32>} : memref<1x1x128xf32, #tpu.memory_space<vmem>>, vector<1x1x128xf32>,
    } else {
    }
    return
  }
  func.func @transform_0(%arg0: i32, %arg1: i32, %arg2: memref<101xi32, #tpu.memory_space<smem>>) -> (i32, i32, i32) {
    %get3A = arith.index_cast %arg0 : i32 to index
    %get3A_0 = memref.load %arg2[%get3A] : memref<101xi32, #tpu.memory_space<smem>>
    %add3A = arith.constant 64 : i32
    %add3A_1 = arith.addi %get3A_0, %add3A : i32
    %sub3A = arith.constant 1 : i32
    %sub3A_2 = arith.subi %add3A_1, %sub3A : i32
    %jit3A = arith.constant 64 : i32
    %div3A = arith.divsi %sub3A_2, %jit3A : i32
    %sign3A = arith.constant 0 : i32
    %sign3A_3 = arith.cmpi sgt, %sub3A_2, %sign3A : i32
    %sign3A_4 = arith.extui %sign3A_3 : i1 to i32
    %sign3A_5 = arith.constant 0 : i32
    %sign3A_6 = arith.cmpi slt, %sub3A_2, %sign3A_5 : i32
    %sign3A_7 = arith.extui %sign3A_6 : i1 to i32
    %sign3A_8 = arith.subi %sign3A_4, %sign3A_7 : i32
    %sign3A_9 = arith.constant 0 : i32
    %sign3A_10 = arith.cmpi sgt, %jit3A, %sign3A_9 : i32
    %sign3A_11 = arith.extui %sign3A_10 : i1 to i32
    %sign3A_12 = arith.constant 0 : i32
    %sign3A_13 = arith.cmpi slt, %jit3A, %sign3A_12 : i32
    %sign3A_14 = arith.extui %sign3A_13 : i1 to i32
    %sign3A_15 = arith.subi %sign3A_11, %sign3A_14 : i32
    %ne3A = arith.cmpi ne, %sign3A_8, %sign3A_15 : i32
    %rem3A = arith.remsi %sub3A_2, %jit3A : i32
    %ne3A_16 = arith.constant 0 : i32
    %ne3A_17 = arith.cmpi ne, %rem3A, %ne3A_16 : i32
    %and3A = arith.andi %ne3A, %ne3A_17 : i1
    %sub3A_18 = arith.constant 1 : i32
    %sub3A_19 = arith.subi %div3A, %sub3A_18 : i32
    %select_n3A = arith.select %and3A, %sub3A_19, %div3A : i32
    %sub3A_20 = arith.constant 1 : i32
    %sub3A_21 = arith.subi %select_n3A, %sub3A_20 : i32
    %max3A = arith.constant 0 : i32
    %max3A_22 = arith.maxsi %sub3A_21, %max3A : i32
    %min3A = arith.minsi %arg1, %max3A_22 : i32
    %c0_i32 = arith.constant 0 : i32
    %c0_i32_23 = arith.constant 0 : i32
    return %arg0, %min3A, %c0_i32 : i32, i32, i32
  }
  func.func @transform_1(%arg0: i32, %arg1: i32, %arg2: memref<101xi32, #tpu.memory_space<smem>>) -> (i32, i32, i32) {
    %get3A = arith.index_cast %arg0 : i32 to index
    %get3A_0 = memref.load %arg2[%get3A] : memref<101xi32, #tpu.memory_space<smem>>
    %add3A = arith.constant 64 : i32
    %add3A_1 = arith.addi %get3A_0, %add3A : i32
    %sub3A = arith.constant 1 : i32
    %sub3A_2 = arith.subi %add3A_1, %sub3A : i32
    %jit3A = arith.constant 64 : i32
    %div3A = arith.divsi %sub3A_2, %jit3A : i32
    %sign3A = arith.constant 0 : i32
    %sign3A_3 = arith.cmpi sgt, %sub3A_2, %sign3A : i32
    %sign3A_4 = arith.extui %sign3A_3 : i1 to i32
    %sign3A_5 = arith.constant 0 : i32
    %sign3A_6 = arith.cmpi slt, %sub3A_2, %sign3A_5 : i32
    %sign3A_7 = arith.extui %sign3A_6 : i1 to i32
    %sign3A_8 = arith.subi %sign3A_4, %sign3A_7 : i32
    %sign3A_9 = arith.constant 0 : i32
    %sign3A_10 = arith.cmpi sgt, %jit3A, %sign3A_9 : i32
    %sign3A_11 = arith.extui %sign3A_10 : i1 to i32
    %sign3A_12 = arith.constant 0 : i32
    %sign3A_13 = arith.cmpi slt, %jit3A, %sign3A_12 : i32
    %sign3A_14 = arith.extui %sign3A_13 : i1 to i32
    %sign3A_15 = arith.subi %sign3A_11, %sign3A_14 : i32
    %ne3A = arith.cmpi ne, %sign3A_8, %sign3A_15 : i32
    %rem3A = arith.remsi %sub3A_2, %jit3A : i32
    %ne3A_16 = arith.constant 0 : i32
    %ne3A_17 = arith.cmpi ne, %rem3A, %ne3A_16 : i32
    %and3A = arith.andi %ne3A, %ne3A_17 : i1
    %sub3A_18 = arith.constant 1 : i32
    %sub3A_19 = arith.subi %div3A, %sub3A_18 : i32
    %select_n3A = arith.select %and3A, %sub3A_19, %div3A : i32
    %sub3A_20 = arith.constant 1 : i32
    %sub3A_21 = arith.subi %select_n3A, %sub3A_20 : i32
    %max3A = arith.constant 0 : i32
    %max3A_22 = arith.maxsi %sub3A_21, %max3A : i32
    %min3A = arith.minsi %arg1, %max3A_22 : i32
    %c0_i32 = arith.constant 0 : i32
    %c0_i32_23 = arith.constant 0 : i32
    return %arg0, %min3A, %c0_i32 : i32, i32, i32
  }
  func.func @transform_2(%arg0: i32, %arg1: i32, %arg2: memref<101xi32, #tpu.memory_space<smem>>) -> (i32, i32, i32) {
    %c0_i32 = arith.constant 0 : i32
    %c0_i32_0 = arith.constant 0 : i32
    %c0_i32_1 = arith.constant 0 : i32
    return %arg0, %c0_i32, %c0_i32_0 : i32, i32, i32
  }
  func.func @transform_3(%arg0: i32, %arg1: i32, %arg2: memref<101xi32, #tpu.memory_space<smem>>) -> (i32, i32, i32) {
    %c0_i32 = arith.constant 0 : i32
    %c0_i32_0 = arith.constant 0 : i32
    %c0_i32_1 = arith.constant 0 : i32
    return %arg0, %c0_i32, %c0_i32_0 : i32, i32, i32
  }
}

</mosaic_0001>

<sc_bundles>
// kernel: kernel.4.cloned.1.call-start
scs
__scs_entry_jumppad:
0x0: {  	(pc) =	sbr.rel $0x88, $3  }
0x1: {  	(tag) =	ssettag $0x0;
	lr =	simm.s32 $0x1  }
0x2: {  	[smem:$0x3F9C] =	sst lr;
	_ =	strace $0xD0000000  }
0x3: {  	_ = 	snop  }
0x4: {  	_ = 	snop  }
0x5: {  	_ = 	snop  }
0x6: {  	_ = 	snop  }
0x7: {  	_ = 	snop  }
__scs_overlays_trampoline_lowered:
0x8: {  	[smem:$0x3FAB] =	sst s0  }
0x9: {  	[smem:$0x3FAC] =	sst s1  }
0xa: {  	[smem:$0x3FAD] =	sst s2  }
0xb: {  	[smem:$0x3FAE] =	sst s3  }
0xc: {  	[smem:$0x3FAF] =	sst s4  }
0xd: {  	[smem:$0x3FB0] =	sst s5  }
0xe: {  	[smem:$0x3FB1] =	sst s6  }
0xf: {  	[smem:$0x3FB2] =	sst s7  }
0x10: {  	[smem:$0x3FB3] =	sst s8  }
0x11: {  	[smem:$0x3FB4] =	sst s9;
	s0 =	simm.s32 @!p0 $0x0  }
0x12: {  	s1 =	sld [smem:$0x3F9A];
	s0 =	simm.s32 @p0 $0x1  }
0x13: {  	[smem:$0x3FB5] =	sst s0;
	s0 =	simm.s32 @!p1 $0x0  }
0x14: {  	s2 =	sld [smem:$0x3F99];
	s0 =	simm.s32 @p1 $0x1  }
0x15: {  	[smem:$0x3FB6] =	sst s0;
	s0 =	simm.s32 @!p2 $0x0  }
0x16: {  	s3 =	sld [smem:$0x3FDB];
	s0 =	simm.s32 @p2 $0x1  }
0x17: {  	s4 =	simm.s32 $0x1BF5;
	[smem:$0x3FB8] =	sst s0  }
0x18: {  	s0 =	sld [smem:$0x3F9B];
	_ =	swait.ge [sflag:s4], $0x0  }
0x19: {  	s7 =	sld [smem:$0x3F9C]  }
0x1a: {  	s8 =	sadd.s32 $0xFFFFE003, lr  }
0x1b: {  	s9 =	sadd.s32 $0xFFFFFEF7, lr;
	s5 =	simm.s32 $0xFFFFFFFF;
	p2 =	slt.u32 s8, $0xFFFFF086  }
0x1c: {  	p1 =	slt.u32 s9, $0xF7A;
	s5 =	simm.s32 @!p2 $0x0  }
0x1d: {  	s5 =	simm.s32 @p1 $0x1;
	p0 =	seq.s32 s7, s2  }
0x1e: {  	s7 =	smul.u32 @!p0 $0xF7A, s2;
	p2 =	seq.s32 @!p0 s5, $0x0  }
0x1f: {  	s9 =	smul.u32 $0xF7A, s1;
	s8 =	simm.s32 @!p0 $0x1BF5;
	p2 =	por !p2, p0  }
0x20: {  	[sflag:s8] =	ssyncset.s32 @!p0 $0xFFFFF086;
	s6 =	sadd.s32 @!p0 s3, s7;
	s7 =	simm.s32 @!p0 $0x108  }
0x21: {  	s3 =	sadd.s32 s3, s9;
	s6 =	sadd.s32 @!p0 $0x88, s6;
	s7 =	simm.s32 @p2 $0x1082  }
0x22: {  	[simem:s7], [sflag:s8] =	dma.local @!p0 [hbm:s6], $0xF7A  }
0x23: {  	s9 =	sor.u32 $0xD0000000, s2;
	s6 =	simm.s32 $0x108;
	_ =	swait.ge @!p0 [sflag:s8], $0x0  }
0x24: {  	s3 =	sadd.s32 $0x88, s3;
	s6 =	simm.s32 @!p1 $0x1082;
	[sflag:s4] =	ssyncset.s32 $0xFFFFF086  }
0x25: {  	[simem:s6], [sflag:s4] =	dma.local [hbm:s3], $0xF7A  }
0x26: {  	[smem:$0x3F9C] =	sst s1;
	(tag) =	ssettag s2;
	_ =	strace s9  }
0x27: {  	s1 =	sld [smem:$0x3FAC]  }
0x28: {  	s2 =	sld [smem:$0x3FAD]  }
0x29: {  	s4 =	sld [smem:$0x3FAF]  }
0x2a: {  	p0 =	seq.s32 s5, $0x0;
	s5 =	sld [smem:$0x3FB0]  }
0x2b: {  	s6 =	sld [smem:$0x3FB1]  }
0x2c: {  	s7 =	sld [smem:$0x3FB2]  }
0x2d: {  	s3 =	simm.s32 $0x108;
	s8 =	sld [smem:$0x3FB3]  }
0x2e: {  	s3 =	simm.s32 @!p0 $0x1082;
	s9 =	sld [smem:$0x3FB4]  }
0x2f: {  	lr =	sadd.s32 s0, s3;
	s0 =	sld [smem:$0x3FAB]  }
0x30: {  	s3 =	sld [smem:$0x3FAE]  }
0x31: {  	[smem:$0x3FB7] =	sst s10  }
0x32: {  	s10 =	sld [smem:$0x3FB5];
	_ =	sdelay $0x3  }
0x33: {  	p0 =	seq.s32 s10, $0x1;
	s10 =	sld [smem:$0x3FB7];
	_ =	sdelay $0x3  }
0x34: {  	[smem:$0x3FB7] =	sst s10  }
0x35: {  	s10 =	sld [smem:$0x3FB6];
	_ =	sdelay $0x3  }
0x36: {  	p1 =	seq.s32 s10, $0x1;
	s10 =	sld [smem:$0x3FB7];
	_ =	sdelay $0x3  }
0x37: {  	[smem:$0x3FB7] =	sst s10  }
0x38: {  	s10 =	sld [smem:$0x3FB8]  }
0x39: {  	_ = 	snop;
	(pc) =	sbr.ind lr, $3  }
0x3a: {  	_ = 	snop  }
0x3b: {  	_ = 	snop  }
0x3c: {  	p2 =	seq.s32 s10, $0x1;
	s10 =	sld [smem:$0x3FB7]  }
0x3d: {  	_ =	shalt  }
0x3e: {  	_ =	shalt  }
0x3f: {  	_ =	shalt  }
0x40: {  	_ =	shalt  }
0x41: {  	_ =	shalt  }
0x42: {  	_ =	shalt  }
0x43: {  	_ =	shalt  }
0x44: {  	_ =	shalt  }
0x45: {  	_ =	shalt  }
0x46: {  	_ =	shalt  }
0x47: {  	_ =	shalt  }
0x48: {  	_ =	shalt  }
0x49: {  	_ =	shalt  }
0x4a: {  	_ =	shalt  }
0x4b: {  	_ =	shalt  }
0x4c: {  	_ =	shalt  }
0x4d: {  	_ =	shalt  }
0x4e: {  	_ =	shalt  }
0x4f: {  	_ =	shalt  }
0x50: {  	_ =	shalt  }
0x51: {  	_ =	shalt  }
0x52: {  	_ =	shalt  }
0x53: {  	_ =	shalt  }
0x54: {  	_ =	shalt  }
0x55: {  	_ =	shalt  }
0x56: {  	_ =	shalt  }
0x57: {  	_ =	shalt  }
0x58: {  	_ =	shalt  }
0x59: {  	_ =	shalt  }
0x5a: {  	_ =	shalt  }
0x5b: {  	_ =	shalt  }
0x5c: {  	_ =	shalt  }
0x5d: {  	_ =	shalt  }
0x5e: {  	_ =	shalt  }
0x5f: {  	_ =	shalt  }
0x60: {  	_ =	shalt  }
0x61: {  	_ =	shalt  }
0x62: {  	_ =	shalt  }
0x63: {  	_ =	shalt  }
0x64: {  	_ =	shalt  }
0x65: {  	_ =	shalt  }
0x66: {  	_ =	shalt  }
0x67: {  	_ =	shalt  }
0x68: {  	_ =	shalt  }
0x69: {  	_ =	shalt  }
0x6a: {  	_ =	shalt  }
0x6b: {  	_ =	shalt  }
0x6c: {  	_ =	shalt  }
0x6d: {  	_ =	shalt  }
0x6e: {  	_ =	shalt  }
0x6f: {  	_ =	shalt  }
0x70: {  	_ =	shalt  }
0x71: {  	_ =	shalt  }
0x72: {  	_ =	shalt  }
0x73: {  	_ =	shalt  }
0x74: {  	_ =	shalt  }
0x75: {  	_ =	shalt  }
0x76: {  	_ =	shalt  }
0x77: {  	_ =	shalt  }
0x78: {  	_ =	shalt  }
0x79: {  	_ =	shalt  }
0x7a: {  	_ =	shalt  }
0x7b: {  	_ =	shalt  }
0x7c: {  	_ =	shalt  }
0x7d: {  	_ =	shalt  }
0x7e: {  	_ =	shalt  }
0x7f: {  	_ =	shalt  }
0x80: {  	_ =	shalt  }
0x81: {  	_ =	shalt  }
0x82: {  	_ =	shalt  }
0x83: {  	_ =	shalt  }
0x84: {  	_ =	shalt  }
0x85: {  	_ =	shalt  }
0x86: {  	_ =	shalt  }
0x87: {  	_ =	shalt  }
.Lfunc_end0:
.L_simem_size_0:
called_computation_lowered:
.L_overlay_start_0:
0x88: {  	s2 =	sld [smem:$0x3FD9]  }
0x89: {  	s3 =	sld [smem:$0x3FFE];
	_ =	sdelay $0x1  }
0x8a: {  	s1 =	srdreg.scid  }
0x8b: {  	s0 =	sand.u32 $0x1, s1  }
0x8c: {  	s14 =	sshll.u32 s0, $0xA;
	s2 =	sadd.s32 s3, s2  }
0x8d: {  	s2 =	sadd.s32 s2, s14  }
0x8e: {  	[smem:$0x3FC3] =	sst s2  }
0x8f: {  	_ = 	snop  }
0x90: {  	s2 =	sld [smem:$0x3FD0];
	_ =	sdelay $0x1  }
0x91: {  	s15 =	sld [smem:$0x3FC9]  }
0x92: {  	s5 =	simm.s32 $0xA;
	s6 =	simm.s32 $0x10;
	s4 =	sld [smem:$0x3FC8]  }
0x93: {  	[smem:s6], [sflag:s5] =	dma.local [hbm:s2], $0x1  }
0x94: {  	_ =	swait.eq [sflag:s5], $0x1  }
0x95: {  	[sflag:s5] =	ssyncset.done $0x0  }
0x96: {  	s16 =	sld [smem:$0x10];
	[sflag:s5] =	ssyncadd.s32 $0xFFFFFFFF  }
0x97: {  	s17 =	sld [smem:$0x11];
	(tm) =	ssettm $0x1  }
0x98: {  	s18 =	sld [smem:$0x3FFB];
	_ =	sdelay $0x3  }
0x99: {  	_ =	strace s18  }
0x9a: {  	s6 =	sld [smem:$0x3FFC];
	_ =	sdelay $0x3  }
0x9b: {  	_ =	strace s6  }
0x9c: {  	s6 =	sld [smem:$0x3FFD];
	_ =	sdelay $0x3  }
0x9d: {  	_ =	strace s6  }
0x9e: {  	_ =	strace $0x8FFFFFFF  }
0x9f: {  	s19 =	sld [smem:$0x3FDB];
	_ =	sdelay $0x1  }
0xa0: {  	s7 =	simm.s32 $_scs_section_size  }
0xa1: {  	s8 =	simm.s32 $_size__tile_overlayer_lowered;
	s9 =	simm.s32 $_tile_overlayer_lowered  }
0xa2: {  	s22 =	simm.s32 $0x1BFF;
	s21 =	sshll.u32 s9, $0x1;
	s6 =	sadd.s32 s7, s19  }
0xa3: {  	s10 =	simm.s32 $0x0;
	s20 =	sshll.u32 s8, $0x1;
	s8 =	sadd.s32 s21, s6  }
0xa4: {  	[timem:s10], [sflag:s22] =	dma.local [hbm:s8], s20  }
0xa5: {  	_ =	swait.ge [sflag:s22], s20  }
0xa6: {  	s7 =	ssub.s32 $0x0, s20;
	[sflag:s22] =	ssyncset.done $0x0  }
0xa7: {  	[sflag:s22] =	ssyncadd.s32 s7;
	_ =	sdelay $0x1  }
0xa8: {  	s23 =	simm.s32 $0x1B8B  }
0xa9: {  	_ =	swait.ge [sflag:s23], $0x1  }
0xaa: {  	[sflag:s23] =	ssyncset.done $0x0  }
0xab: {  	s25 =	simm.s32 $0x1B8E;
	s24 =	sld [smem:$0x3FFE];
	[sflag:s23] =	ssyncadd.s32 $0xFFFFFFFF  }
0xac: {  	s26 =	simm.s32 $execute0_lowered;
	[smem:$0x3FD2] =	sst s25  }
0xad: {  	s8 =	sshll.u32 s26, $0x1;
	_ =	strace $0x80000046;
	[dreg:$0x1] =	wrdreg $0xFFFFFFFF  }
0xae: {  	s28 =	simm.s32 $_size_execute0_lowered;
	s6 =	sadd.s32 s6, s8;
	[dreg:$0x0] =	wrdreg $0x0  }
0xaf: {  	s8 =	sshll.u32 s28, $0x1;
	[dreg:$0x2] =	wrdreg s6  }
0xb0: {  	[dreg:$0x3] =	wrdreg s8  }
0xb1: {  	[dreg:$0x4] =	wrdreg $0xC0  }
0xb2: {  	_ =	task [dreg:s10], $0x5FFFF  }
0xb3: {  	[dreg:$0x1] =	wrdreg $0xFFFFFFFF  }
0xb4: {  	[dreg:$0x0] =	wrdreg $0x60  }
0xb5: {  	[dreg:$0x2] =	wrdreg s15  }
0xb6: {  	[dreg:$0x3] =	wrdreg s4  }
0xb7: {  	[dreg:$0x4] =	wrdreg s24  }
0xb8: {  	[dreg:$0x5] =	wrdreg s16  }
0xb9: {  	[dreg:$0x6] =	wrdreg s17  }
0xba: {  	[dreg:$0x7] =	wrdreg $0x9  }
0xbb: {  	_ =	task.clear_ibuf [dreg:s10], $0x8FFFF;
	_ =	strace $0x90000046  }
0xbc: {  	s29 =	simm.s32 $0x9;
	_ =	strace $0x80000048  }
0xbd: {  	_ =	swait.ge [sflag:s29], $0x1  }
0xbe: {  	[sflag:s29] =	ssyncadd.s32 $0xFFFFFFFF  }
0xbf: {  	_ =	strace $0x90000048  }
0xc0: {  	_ =	sfence  }
0xc1: {  	s30 =	sld [smem:$0x0];
	_ =	sdelay $0x2  }
0xc2: {  	s31 =	sshll.u32 s1, $0xD;
	s1 =	sshrl.u32 s1, $0x2  }
0xc3: {  	s3 =	sand.u32 $0x4000, s31;
	s1 =	sadd.s32 s1, s30  }
0xc4: {  	s0 =	sor.u32 s3, s0;
	s1 =	sshll.u32 s1, $0x11  }
0xc5: {  	s0 =	sor.u32 s1, s0  }
0xc6: {  	s0 =	sadd.s32 $0x8F2B, s0  }
0xc7: {  	[sflag:s0] =	ssyncadd.remote.s32 $0x1  }
0xc8: {  	_ =	sfence.sel $0xFFFF  }
0xc9: {  	[dreg:$0x0] =	wrdreg $0xFFFFFFFF;
	(pc) =	sbr.abs _section_cstart, $3  }
0xca: {  	[dreg:$0x1] =	wrdreg $0xFFFFFFFF  }
0xcb: {  	_ =	task.clear_ibuf [dreg:s10], $0x2FFFF;
	_ =	strace $0x9FFFFFFF  }
0xcc: {  	(tm) =	ssettm $0x7FFFFFFF  }
0xcd: {  	_ =	shalt  }
tec
execute0_lowered:
.L_overlay_start_1:
0x0: {  	(tag) =	ssettag $0x1  }
0x1: {  	s4 =	rddreg [dreg:$0x0]  }
0x2: {  	s5 =	rddreg [dreg:$0x1]  }
0x3: {  	s0 =	rddreg [dreg:$0x2];
	s6 =	simm.s32 $0x0  }
0x4: {  	s1 =	srdreg.scid;
	s2 =	stileid.u32;
	s18 =	simm.s32 $0x4  }
0x5: {  	s19 =	simm.s32 $0x80;
	s25 =	simm.s32 $0x2900;
	s28 =	simm.s32 $0x3900  }
0x6: {  	s29 =	simm.s32 $0x1;
	s30 =	simm.s32 $0x400;
	s31 =	simm.s32 $0x2  }
0x7: {  	[smem:$0x7FF] =	sst s6;
	s1 =	sand.u32 $0x1, s1;
	s2 =	sshll.u32 s2, $0x1  }
0x8: {  	s7 =	sadd.s32 $0x2200, s0;
	s9 =	sadd.s32 $0x2A00, s0;
	s11 =	sadd.s32 $0x100, s4  }
0x9: {  	s12 =	sadd.s32 $0x200, s4;
	s13 =	sadd.s32 $0x300, s4;
	s14 =	sadd.s32 $0x100, s5  }
.Ltmp0:
0xa: {  	s15 =	sadd.s32 $0x200, s5;
	s3 =	ssub.s32 $0x2, s1;
	(pc) =	sbr.rel .LBB2_1-.Ltmp0, $4  }
0xb: {  	s16 =	sadd.s32 $0x300, s5;
	s8 =	sor.u32 s1, s2;
	s26 =	sshrl.u32 s3, $0x1  }
0xc: {  	v0 =	vlaneseq.u32;
	s5 =	simm.s32 $0x3;
	s1 =	sshll.u32 s8, $0x7;
	s0 =	ssub.s32 s3, s26  }
0xd: {  	v1 =	vshrl.u32 v0, $0x3;
	_ =	strace $0x80000047;
	s10 =	sand.u32 $0x380, s1;
	s0 =	smax.u32 s0, $0x1  }
0xe: {  	vm0 =	vmmov $0xffff;
	v0 =	vand.u32 $0x7, v0;
	v1 =	vmul.u32 $0x8, v1;
	s26 =	simm.s32 $0x3100;
	[dreg:$0x7] =	wrdreg s0;
	s0 =	simm.s32 $0x4100  }
.LBB2_9:
0xf: {  	s6 =	rddreg [dreg:$0x6]  }
0x10: {  	s1 =	rddreg [dreg:$0x7];
	s6 =	sadd.s32 $0x1, s6  }
0x11: {  	p0 =	sne.s32 s6, s1  }
.Ltmp1:
0x12: {  	_ = 	snop;
	(pc) =	sbr.rel @!p0 .LBB2_10-.Ltmp1, $1  }
0x13: {  	_ =	sdelay $0x3  }
.LBB2_1:
.Ltmp2:
0x14: {  	(pc) =	sbr.rel .LBB2_2-.Ltmp2, $2  }
0x15: {  	_ =	sdelay $0x2  }
0x16: {  	[dreg:$0x6] =	wrdreg s6;
	s17 =	simm.s32 $0x0  }
.LBB2_8:
0x17: {  	s17 =	sadd.s32 $0x1, s17  }
0x18: {  	p0 =	sne.s32 s17, $0x4  }
.Ltmp3:
0x19: {  	_ = 	snop;
	(pc) =	sbr.rel @!p0 .LBB2_9-.Ltmp3, $1  }
0x1a: {  	_ =	sdelay $0x3  }
.LBB2_2:
0x1b: {  	s1 =	sshll.u32 s17, $0x5  }
0x1c: {  	s1 =	sor.u32 s8, s1  }
0x1d: {  	p0 =	sgt.u32 s1, $0x64  }
.Ltmp4:
0x1e: {  	_ = 	snop;
	(pc) =	sbr.rel @p0 .LBB2_8-.Ltmp4, $1  }
0x1f: {  	_ =	sdelay $0x3  }
0x20: {  	s6 =	sshrl.u32 s1, $0x3  }
0x21: {  	s1 =	sshll.u32 s6, $0xA  }
0x22: {  	s1 =	sor.u32 s10, s1  }
0x23: {  	s2 =	sshrl.u32 s1, $0x3  }
0x24: {  	s1 =	simm.s32 $0x0;
	s3 =	sadd.s32 s7, s2  }
0x25: {  	[tilespmem:s1], [sflag:$0x4] =	stream.linear.gather [hbm4b:s3+s1], $0x80, $0x38;
	[tilespmem:$0x4500] =	vst v63  }
0x26: {  	_ =	swait.ge [sflag:s18], $0x80  }
0x27: {  	[sflag:s18] =	ssyncset.done $0x0  }
0x28: {  	s2 =	sadd.s32 s9, s2;
	[sflag:s18] =	ssyncadd.s32 $0xFFFFFF80  }
0x29: {  	[tilespmem:s19], [sflag:$0x4] =	stream.linear.gather [hbm4b:s2+s1], $0x80, $0x38;
	[tilespmem:$0x4500] =	vst v63  }
0x2a: {  	_ =	swait.ge [sflag:s18], $0x80  }
0x2b: {  	[sflag:s18] =	ssyncset.done $0x0  }
0x2c: {  	[sflag:s18] =	ssyncadd.s32 $0xFFFFFF80  }
0x2d: {  	v2 =	vld.msk [tilespmem:$0x0], $0xff;
	_ =	sdelay $0x4  }
0x2e: {  	v3 =	vshll.u32 v2, $0x3  }
0x2f: {  	v2 =	vand.u32 $0x7, v2;
	v3 =	vand.u32 $0xFFFFFFC0, v3  }
0x30: {  	v2 =	vor.u32 v2, v3  }
0x31: {  	v2 =	vperm.xlane v2, v0;
	_ =	sdelay $0x1  }
0x32: {  	v2 =	vadd.s32 v1, v2;
	_ =	sdelay $0x3  }
0x33: {  	s21 =	simm.s32 $0x100;
	s20 =	rddreg [dreg:$0x0]  }
0x34: {  	[tilespmem:s21], [sflag:$0x1] =	stream.indirect_vreg.gather [hbm4b:s20+s1], $0x80, v2, vm0, $0xb8;
	[tilespmem:$0x4500] =	vst v63  }
0x35: {  	s22 =	simm.s32 $0x900  }
0x36: {  	[tilespmem:s22], [sflag:$0x1] =	stream.indirect_vreg.gather [hbm4b:s11+s1], $0x80, v2, vm0, $0xb8;
	[tilespmem:$0x4500] =	vst v63  }
0x37: {  	s23 =	simm.s32 $0x1100  }
0x38: {  	[tilespmem:s23], [sflag:$0x1] =	stream.indirect_vreg.gather [hbm4b:s12+s1], $0x80, v2, vm0, $0xb8;
	[tilespmem:$0x4500] =	vst v63  }
0x39: {  	s24 =	simm.s32 $0x1900  }
0x3a: {  	[tilespmem:s24], [sflag:$0x1] =	stream.indirect_vreg.gather [hbm4b:s13+s1], $0x80, v2, vm0, $0xb8;
	[tilespmem:$0x4500] =	vst v63  }
0x3b: {  	v2 =	vld.msk [tilespmem:$0x0], $0xff;
	_ =	sdelay $0x4  }
0x3c: {  	v3 =	vshll.u32 v2, $0x3  }
0x3d: {  	v2 =	vand.u32 $0x7, v2;
	v3 =	vand.u32 $0xFFFFFFC0, v3  }
0x3e: {  	v2 =	vor.u32 v2, v3  }
0x3f: {  	v2 =	vperm.xlane v2, v0;
	_ =	sdelay $0x1  }
0x40: {  	v2 =	vadd.s32 v1, v2;
	_ =	sdelay $0x3  }
0x41: {  	s4 =	simm.s32 $0x2100;
	s3 =	rddreg [dreg:$0x1]  }
0x42: {  	[tilespmem:s4], [sflag:$0x2] =	stream.indirect_vreg.gather [hbm4b:s3+s1], $0x80, v2, vm0, $0xb8;
	[tilespmem:$0x4500] =	vst v63  }
0x43: {  	_ = 	snop  }
0x44: {  	[tilespmem:s25], [sflag:$0x2] =	stream.indirect_vreg.gather [hbm4b:s14+s1], $0x80, v2, vm0, $0xb8;
	[tilespmem:$0x4500] =	vst v63  }
0x45: {  	_ = 	snop  }
0x46: {  	[tilespmem:s26], [sflag:$0x2] =	stream.indirect_vreg.gather [hbm4b:s15+s1], $0x80, v2, vm0, $0xb8;
	[tilespmem:$0x4500] =	vst v63  }
0x47: {  	_ = 	snop  }
0x48: {  	[tilespmem:s28], [sflag:$0x2] =	stream.indirect_vreg.gather [hbm4b:s16+s1], $0x80, v2, vm0, $0xb8;
	[tilespmem:$0x4500] =	vst v63  }
0x49: {  	_ =	swait.ge [sflag:s29], $0x2000  }
0x4a: {  	s20 =	sand.u32 $0x1C00, s1;
	[sflag:s29] =	ssyncset.done $0x0  }
0x4b: {  	s2 =	sor.u32 $0x100, s20;
	s4 =	sand.u32 $0x40, s1;
	[sflag:s29] =	ssyncadd.s32 $0xFFFFE000  }
0x4c: {  	s21 =	sor.u32 s4, s2;
	v6 =	vld [tilespmem:$0x80]  }
0x4d: {  	v3 =	vld [tilespmem:s21+$0x0]  }
0x4e: {  	v7 =	vld [tilespmem:$0x90]  }
0x4f: {  	v5 =	vld [tilespmem:s21+$0x80]  }
0x50: {  	v4 =	vld [tilespmem:$0xA0]  }
0x51: {  	v8 =	vld [tilespmem:s21+$0x100]  }
0x52: {  	v2 =	vld [tilespmem:$0xB0];
	v9 =	vmul.f32 v3, v6  }
0x53: {  	v10 =	vld [tilespmem:s21+$0x180]  }
0x54: {  	v12 =	vld [tilespmem:s21+$0x200];
	v11 =	vmul.f32 v5, v7;
	v9 =	vadd.f32 $0.0e+00, v9  }
0x55: {  	v3 =	vld [tilespmem:$0xC0]  }
0x56: {  	v13 =	vld [tilespmem:s21+$0x280];
	v9 =	vadd.f32 v11, v9;
	v11 =	vmul.f32 v8, v4  }
0x57: {  	v5 =	vld [tilespmem:$0xD0]  }
0x58: {  	v14 =	vld [tilespmem:s21+$0x300];
	v10 =	vmul.f32 v10, v2;
	v11 =	vadd.f32 v11, v9  }
0x59: {  	v8 =	vld [tilespmem:$0xE0]  }
0x5a: {  	v45 =	vld [tilespmem:s21+$0x380];
	v10 =	vadd.f32 v10, v11;
	v11 =	vmul.f32 v12, v3  }
0x5b: {  	v9 =	vld [tilespmem:$0xF0]  }
0x5c: {  	v10 =	vadd.f32 v11, v10;
	v11 =	vmul.f32 v13, v5;
	_ =	sdelay $0x1  }
0x5d: {  	v10 =	vadd.f32 v11, v10;
	v11 =	vmul.f32 v14, v8;
	_ =	sdelay $0x1  }
0x5e: {  	v10 =	vadd.f32 v11, v10;
	v11 =	vmul.f32 v45, v9;
	_ =	sdelay $0x1  }
0x5f: {  	v10 =	vadd.f32 v11, v10  }
0x60: {  	s3 =	simm.s32 $0x4100;
	s20 =	sor.u32 $0x10, s4  }
0x61: {  	s21 =	sor.u32 s20, s2;
	[tilespmem:s3+$0x0] =	vst v10  }
0x62: {  	v10 =	vld [tilespmem:s21+$0x0];
	_ =	sdelay $0x1  }
0x63: {  	v11 =	vld [tilespmem:s21+$0x80];
	_ =	sdelay $0x1  }
0x64: {  	v46 =	vld [tilespmem:s21+$0x100]  }
0x65: {  	v10 =	vmul.f32 v10, v6  }
0x66: {  	v47 =	vld [tilespmem:s21+$0x180]  }
0x67: {  	v11 =	vmul.f32 v11, v7;
	v10 =	vadd.f32 $0.0e+00, v10  }
0x68: {  	v48 =	vld [tilespmem:s21+$0x200]  }
0x69: {  	v10 =	vadd.f32 v11, v10;
	v11 =	vmul.f32 v46, v4  }
0x6a: {  	v49 =	vld [tilespmem:s21+$0x280]  }
0x6b: {  	v10 =	vadd.f32 v11, v10;
	v11 =	vmul.f32 v47, v2  }
0x6c: {  	v50 =	vld [tilespmem:s21+$0x300]  }
0x6d: {  	v10 =	vadd.f32 v11, v10;
	v11 =	vmul.f32 v48, v3  }
0x6e: {  	v51 =	vld [tilespmem:s21+$0x380]  }
0x6f: {  	v10 =	vadd.f32 v11, v10;
	v11 =	vmul.f32 v49, v5;
	_ =	sdelay $0x1  }
0x70: {  	v10 =	vadd.f32 v11, v10;
	v11 =	vmul.f32 v50, v8;
	_ =	sdelay $0x1  }
0x71: {  	v10 =	vadd.f32 v11, v10;
	v11 =	vmul.f32 v51, v9  }
0x72: {  	s1 =	sand.u32 $0x380, s1  }
0x73: {  	s1 =	sadd.s32 $0x4100, s1;
	v10 =	vadd.f32 v11, v10  }
0x74: {  	s22 =	sor.u32 $0x20, s4;
	s20 =	sor.u32 s20, s1  }
0x75: {  	s23 =	sor.u32 s22, s2;
	[tilespmem:s20+$0x0] =	vst v10  }
0x76: {  	v10 =	vld [tilespmem:s23+$0x0];
	_ =	sdelay $0x1  }
0x77: {  	v11 =	vld [tilespmem:s23+$0x80];
	_ =	sdelay $0x1  }
0x78: {  	v52 =	vld [tilespmem:s23+$0x100]  }
0x79: {  	v10 =	vmul.f32 v10, v6  }
0x7a: {  	v53 =	vld [tilespmem:s23+$0x180]  }
0x7b: {  	v11 =	vmul.f32 v11, v7;
	v10 =	vadd.f32 $0.0e+00, v10  }
0x7c: {  	v54 =	vld [tilespmem:s23+$0x200]  }
0x7d: {  	v10 =	vadd.f32 v11, v10;
	v11 =	vmul.f32 v52, v4  }
0x7e: {  	v55 =	vld [tilespmem:s23+$0x280]  }
0x7f: {  	v10 =	vadd.f32 v11, v10;
	v11 =	vmul.f32 v53, v2  }
0x80: {  	v56 =	vld [tilespmem:s23+$0x300]  }
0x81: {  	v10 =	vadd.f32 v11, v10;
	v11 =	vmul.f32 v54, v3  }
0x82: {  	v57 =	vld [tilespmem:s23+$0x380]  }
0x83: {  	v10 =	vadd.f32 v11, v10;
	v11 =	vmul.f32 v55, v5;
	_ =	sdelay $0x1  }
0x84: {  	v10 =	vadd.f32 v11, v10;
	v11 =	vmul.f32 v56, v8;
	_ =	sdelay $0x1  }
0x85: {  	v10 =	vadd.f32 v11, v10;
	v11 =	vmul.f32 v57, v9;
	_ =	sdelay $0x1  }
0x86: {  	v10 =	vadd.f32 v11, v10  }
0x87: {  	s24 =	sor.u32 s22, s1;
	s22 =	sor.u32 $0x30, s4  }
0x88: {  	s2 =	sor.u32 s22, s2;
	[tilespmem:s24+$0x0] =	vst v10  }
0x89: {  	v10 =	vld [tilespmem:s2+$0x0];
	_ =	sdelay $0x1  }
0x8a: {  	v11 =	vld [tilespmem:s2+$0x80];
	_ =	sdelay $0x1  }
0x8b: {  	v58 =	vld [tilespmem:s2+$0x100]  }
0x8c: {  	v10 =	vmul.f32 v10, v6  }
0x8d: {  	v59 =	vld [tilespmem:s2+$0x180]  }
0x8e: {  	v11 =	vmul.f32 v11, v7;
	v10 =	vadd.f32 $0.0e+00, v10  }
0x8f: {  	v60 =	vld [tilespmem:s2+$0x200]  }
0x90: {  	v10 =	vadd.f32 v11, v10;
	v11 =	vmul.f32 v58, v4  }
0x91: {  	v61 =	vld [tilespmem:s2+$0x280]  }
0x92: {  	v10 =	vadd.f32 v11, v10;
	v11 =	vmul.f32 v59, v2  }
0x93: {  	v62 =	vld [tilespmem:s2+$0x300]  }
0x94: {  	v10 =	vadd.f32 v11, v10;
	v11 =	vmul.f32 v60, v3  }
0x95: {  	v63 =	vld [tilespmem:s2+$0x380]  }
0x96: {  	v10 =	vadd.f32 v11, v10;
	v11 =	vmul.f32 v61, v5;
	_ =	sdelay $0x1  }
0x97: {  	v10 =	vadd.f32 v11, v10;
	v11 =	vmul.f32 v62, v8;
	_ =	sdelay $0x1  }
0x98: {  	v10 =	vadd.f32 v11, v10;
	v11 =	vmul.f32 v63, v9  }
0x99: {  	s20 =	simm.s32 $0x200  }
0x9a: {  	s4 =	simm.s32 $0x40;
	s22 =	sor.u32 s22, s1;
	s23 =	sand.u32 $0x1C00, s20;
	v10 =	vadd.f32 v11, v10  }
0x9b: {  	s21 =	simm.s32 $0x4;
	s1 =	sor.u32 $0x100, s23;
	s2 =	sand.u32 $0x40, s4  }
.LBB2_4:
0x9c: {  	s21 =	sadd.s32 $0x4, s21;
	s23 =	sor.u32 s2, s1;
	[tilespmem:s22+$0x0] =	vst v10;
	s3 =	sadd.s32 $0x40, s3  }
0x9d: {  	p0 =	slt.u32 s21, $0x3C;
	v10 =	vld [tilespmem:s23+$0x0];
	_ =	sdelay $0x1  }
0x9e: {  	v11 =	vld [tilespmem:s23+$0x80];
	_ =	sdelay $0x1  }
0x9f: {  	v12 =	vld [tilespmem:s23+$0x100]  }
0xa0: {  	v10 =	vmul.f32 v10, v6  }
0xa1: {  	v13 =	vld [tilespmem:s23+$0x180]  }
0xa2: {  	v10 =	vadd.f32 $0.0e+00, v10;
	v11 =	vmul.f32 v11, v7  }
0xa3: {  	v14 =	vld [tilespmem:s23+$0x200]  }
0xa4: {  	v10 =	vadd.f32 v11, v10;
	v11 =	vmul.f32 v12, v4  }
0xa5: {  	v12 =	vld [tilespmem:s23+$0x280]  }
0xa6: {  	v10 =	vadd.f32 v11, v10;
	v11 =	vmul.f32 v13, v2  }
0xa7: {  	v13 =	vld [tilespmem:s23+$0x300]  }
0xa8: {  	v10 =	vadd.f32 v11, v10;
	v11 =	vmul.f32 v14, v3  }
0xa9: {  	v14 =	vld [tilespmem:s23+$0x380]  }
0xaa: {  	v10 =	vadd.f32 v11, v10;
	v11 =	vmul.f32 v12, v5;
	_ =	sdelay $0x1  }
0xab: {  	v10 =	vadd.f32 v11, v10;
	v11 =	vmul.f32 v13, v8;
	_ =	sdelay $0x1  }
0xac: {  	v10 =	vadd.f32 v11, v10;
	v11 =	vmul.f32 v14, v9;
	_ =	sdelay $0x1  }
0xad: {  	v10 =	vadd.f32 v11, v10  }
0xae: {  	s23 =	sor.u32 $0x10, s2  }
0xaf: {  	s22 =	sor.u32 s23, s1;
	[tilespmem:s3+$0x0] =	vst v10  }
0xb0: {  	v10 =	vld [tilespmem:s22+$0x0];
	_ =	sdelay $0x1  }
0xb1: {  	v11 =	vld [tilespmem:s22+$0x80];
	_ =	sdelay $0x1  }
0xb2: {  	v12 =	vld [tilespmem:s22+$0x100]  }
0xb3: {  	v10 =	vmul.f32 v10, v6  }
0xb4: {  	v13 =	vld [tilespmem:s22+$0x180]  }
0xb5: {  	v10 =	vadd.f32 $0.0e+00, v10;
	v11 =	vmul.f32 v11, v7  }
0xb6: {  	v14 =	vld [tilespmem:s22+$0x200]  }
0xb7: {  	v10 =	vadd.f32 v11, v10;
	v11 =	vmul.f32 v12, v4  }
0xb8: {  	v12 =	vld [tilespmem:s22+$0x280]  }
0xb9: {  	v10 =	vadd.f32 v11, v10;
	v11 =	vmul.f32 v13, v2  }
0xba: {  	v13 =	vld [tilespmem:s22+$0x300]  }
0xbb: {  	v10 =	vadd.f32 v11, v10;
	v11 =	vmul.f32 v14, v3  }
0xbc: {  	v14 =	vld [tilespmem:s22+$0x380]  }
0xbd: {  	v10 =	vadd.f32 v11, v10;
	v11 =	vmul.f32 v12, v5;
	_ =	sdelay $0x1  }
0xbe: {  	v10 =	vadd.f32 v11, v10;
	v11 =	vmul.f32 v13, v8;
	_ =	sdelay $0x1  }
0xbf: {  	v10 =	vadd.f32 v11, v10;
	v11 =	vmul.f32 v14, v9  }
0xc0: {  	s22 =	sand.u32 $0x380, s4  }
0xc1: {  	s22 =	sadd.s32 $0x4100, s22;
	v10 =	vadd.f32 v11, v10  }
0xc2: {  	s24 =	sor.u32 $0x20, s2;
	s23 =	sor.u32 s23, s22  }
0xc3: {  	[tilespmem:s23+$0x0] =	vst v10;
	s23 =	sor.u32 s24, s1  }
0xc4: {  	v10 =	vld [tilespmem:s23+$0x0];
	_ =	sdelay $0x1  }
0xc5: {  	v11 =	vld [tilespmem:s23+$0x80];
	_ =	sdelay $0x1  }
0xc6: {  	v12 =	vld [tilespmem:s23+$0x100]  }
0xc7: {  	v10 =	vmul.f32 v10, v6  }
0xc8: {  	v13 =	vld [tilespmem:s23+$0x180]  }
0xc9: {  	v10 =	vadd.f32 $0.0e+00, v10;
	v11 =	vmul.f32 v11, v7  }
0xca: {  	v14 =	vld [tilespmem:s23+$0x200]  }
0xcb: {  	v10 =	vadd.f32 v11, v10;
	v11 =	vmul.f32 v12, v4  }
0xcc: {  	v12 =	vld [tilespmem:s23+$0x280]  }
0xcd: {  	v10 =	vadd.f32 v11, v10;
	v11 =	vmul.f32 v13, v2  }
0xce: {  	v13 =	vld [tilespmem:s23+$0x300]  }
0xcf: {  	v10 =	vadd.f32 v11, v10;
	v11 =	vmul.f32 v14, v3  }
0xd0: {  	v14 =	vld [tilespmem:s23+$0x380]  }
0xd1: {  	v10 =	vadd.f32 v11, v10;
	v11 =	vmul.f32 v12, v5;
	_ =	sdelay $0x1  }
0xd2: {  	v10 =	vadd.f32 v11, v10;
	v11 =	vmul.f32 v13, v8;
	_ =	sdelay $0x1  }
0xd3: {  	v10 =	vadd.f32 v11, v10;
	v11 =	vmul.f32 v14, v9;
	_ =	sdelay $0x1  }
0xd4: {  	v10 =	vadd.f32 v11, v10  }
0xd5: {  	s23 =	sor.u32 s24, s22;
	s24 =	sor.u32 $0x30, s2  }
0xd6: {  	s1 =	sor.u32 s24, s1;
	[tilespmem:s23+$0x0] =	vst v10  }
0xd7: {  	v10 =	vld [tilespmem:s1+$0x0]  }
0xd8: {  	v11 =	vld [tilespmem:s1+$0x80]  }
0xd9: {  	v12 =	vld [tilespmem:s1+$0x100]  }
0xda: {  	v13 =	vld [tilespmem:s1+$0x180]  }
0xdb: {  	v14 =	vld [tilespmem:s1+$0x200]  }
0xdc: {  	v10 =	vmul.f32 v10, v6;
	v15 =	vld [tilespmem:s1+$0x280]  }
0xdd: {  	v16 =	vld [tilespmem:s1+$0x300]  }
0xde: {  	v11 =	vmul.f32 v11, v7;
	v10 =	vadd.f32 $0.0e+00, v10;
	v17 =	vld [tilespmem:s1+$0x380];
	_ =	sdelay $0x1  }
0xdf: {  	v10 =	vadd.f32 v11, v10;
	v11 =	vmul.f32 v12, v4;
	_ =	sdelay $0x1  }
0xe0: {  	v10 =	vadd.f32 v11, v10;
	v11 =	vmul.f32 v13, v2;
	_ =	sdelay $0x1  }
0xe1: {  	v10 =	vadd.f32 v11, v10;
	v11 =	vmul.f32 v14, v3;
	_ =	sdelay $0x1  }
0xe2: {  	v10 =	vadd.f32 v11, v10;
	v11 =	vmul.f32 v15, v5;
	_ =	sdelay $0x1  }
0xe3: {  	v10 =	vadd.f32 v11, v10;
	v11 =	vmul.f32 v16, v8  }
.Ltmp5:
0xe4: {  	(pc) =	sbr.rel @p0 .LBB2_4-.Ltmp5, $4  }
0xe5: {  	v10 =	vadd.f32 v11, v10;
	v11 =	vmul.f32 v17, v9  }
0xe6: {  	s20 =	sadd.s32 $0x200, s20  }
0xe7: {  	s4 =	sadd.s32 $0x40, s4;
	s1 =	sand.u32 $0x1C00, s20;
	v10 =	vadd.f32 v11, v10  }
0xe8: {  	s2 =	sand.u32 $0x40, s4;
	s22 =	sor.u32 s24, s22;
	s1 =	sor.u32 $0x100, s1  }
0xe9: {  	s20 =	sor.u32 s2, s1;
	[tilespmem:s22+$0x0] =	vst v10  }
0xea: {  	v10 =	vld [tilespmem:s20+$0x0];
	_ =	sdelay $0x1  }
0xeb: {  	v11 =	vld [tilespmem:s20+$0x80];
	_ =	sdelay $0x1  }
0xec: {  	v12 =	vld [tilespmem:s20+$0x100]  }
0xed: {  	v10 =	vmul.f32 v10, v6  }
0xee: {  	v13 =	vld [tilespmem:s20+$0x180]  }
0xef: {  	v11 =	vmul.f32 v11, v7;
	v10 =	vadd.f32 $0.0e+00, v10  }
0xf0: {  	v14 =	vld [tilespmem:s20+$0x200]  }
0xf1: {  	v10 =	vadd.f32 v11, v10;
	v11 =	vmul.f32 v12, v4  }
0xf2: {  	v26 =	vld [tilespmem:s20+$0x280]  }
0xf3: {  	v10 =	vadd.f32 v11, v10;
	v11 =	vmul.f32 v13, v2  }
0xf4: {  	v27 =	vld [tilespmem:s20+$0x300]  }
0xf5: {  	v10 =	vadd.f32 v11, v10;
	v11 =	vmul.f32 v14, v3  }
0xf6: {  	v28 =	vld [tilespmem:s20+$0x380]  }
0xf7: {  	v10 =	vadd.f32 v11, v10;
	v11 =	vmul.f32 v26, v5;
	_ =	sdelay $0x1  }
0xf8: {  	v10 =	vadd.f32 v11, v10;
	v11 =	vmul.f32 v27, v8;
	_ =	sdelay $0x1  }
0xf9: {  	v10 =	vadd.f32 v11, v10;
	v11 =	vmul.f32 v28, v9;
	_ =	sdelay $0x1  }
0xfa: {  	v10 =	vadd.f32 v11, v10  }
0xfb: {  	s3 =	sadd.s32 $0x40, s3;
	s23 =	sor.u32 $0x10, s2  }
0xfc: {  	s24 =	sor.u32 s23, s1;
	[tilespmem:s3+$0x0] =	vst v10  }
0xfd: {  	v10 =	vld [tilespmem:s24+$0x0];
	_ =	sdelay $0x1  }
0xfe: {  	v11 =	vld [tilespmem:s24+$0x80];
	_ =	sdelay $0x1  }
0xff: {  	v29 =	vld [tilespmem:s24+$0x100]  }
0x100: {  	v10 =	vmul.f32 v10, v6  }
0x101: {  	v30 =	vld [tilespmem:s24+$0x180]  }
0x102: {  	v11 =	vmul.f32 v11, v7;
	v10 =	vadd.f32 $0.0e+00, v10  }
0x103: {  	v31 =	vld [tilespmem:s24+$0x200]  }
0x104: {  	v10 =	vadd.f32 v11, v10;
	v11 =	vmul.f32 v29, v4  }
0x105: {  	v32 =	vld [tilespmem:s24+$0x280]  }
0x106: {  	v10 =	vadd.f32 v11, v10;
	v11 =	vmul.f32 v30, v2  }
0x107: {  	v33 =	vld [tilespmem:s24+$0x300]  }
0x108: {  	v10 =	vadd.f32 v11, v10;
	v11 =	vmul.f32 v31, v3  }
0x109: {  	v34 =	vld [tilespmem:s24+$0x380]  }
0x10a: {  	v10 =	vadd.f32 v11, v10;
	v11 =	vmul.f32 v32, v5;
	_ =	sdelay $0x1  }
0x10b: {  	v10 =	vadd.f32 v11, v10;
	v11 =	vmul.f32 v33, v8;
	_ =	sdelay $0x1  }
0x10c: {  	v10 =	vadd.f32 v11, v10;
	v11 =	vmul.f32 v34, v9  }
0x10d: {  	s4 =	sand.u32 $0x380, s4  }
0x10e: {  	s3 =	sadd.s32 $0x4100, s4;
	v10 =	vadd.f32 v11, v10  }
0x10f: {  	s21 =	sor.u32 $0x20, s2;
	s20 =	sor.u32 s23, s3  }
0x110: {  	s22 =	sor.u32 s21, s1;
	[tilespmem:s20+$0x0] =	vst v10  }
0x111: {  	v10 =	vld [tilespmem:s22+$0x0];
	_ =	sdelay $0x1  }
0x112: {  	v11 =	vld [tilespmem:s22+$0x80];
	_ =	sdelay $0x1  }
0x113: {  	v35 =	vld [tilespmem:s22+$0x100]  }
0x114: {  	v10 =	vmul.f32 v10, v6  }
0x115: {  	v36 =	vld [tilespmem:s22+$0x180]  }
0x116: {  	v11 =	vmul.f32 v11, v7;
	v10 =	vadd.f32 $0.0e+00, v10  }
0x117: {  	v37 =	vld [tilespmem:s22+$0x200]  }
0x118: {  	v10 =	vadd.f32 v11, v10;
	v11 =	vmul.f32 v35, v4  }
0x119: {  	v38 =	vld [tilespmem:s22+$0x280]  }
0x11a: {  	v10 =	vadd.f32 v11, v10;
	v11 =	vmul.f32 v36, v2  }
0x11b: {  	v39 =	vld [tilespmem:s22+$0x300]  }
0x11c: {  	v10 =	vadd.f32 v11, v10;
	v11 =	vmul.f32 v37, v3  }
0x11d: {  	v40 =	vld [tilespmem:s22+$0x380]  }
0x11e: {  	v10 =	vadd.f32 v11, v10;
	v11 =	vmul.f32 v38, v5;
	_ =	sdelay $0x1  }
0x11f: {  	v10 =	vadd.f32 v11, v10;
	v11 =	vmul.f32 v39, v8;
	_ =	sdelay $0x1  }
0x120: {  	v10 =	vadd.f32 v11, v10;
	v11 =	vmul.f32 v40, v9;
	_ =	sdelay $0x1  }
0x121: {  	v10 =	vadd.f32 v11, v10  }
0x122: {  	s23 =	sor.u32 s21, s3;
	s24 =	sor.u32 $0x30, s2  }
0x123: {  	s4 =	sor.u32 s24, s1;
	[tilespmem:s23+$0x0] =	vst v10  }
0x124: {  	v10 =	vld [tilespmem:s4+$0x0];
	_ =	sdelay $0x1  }
0x125: {  	v11 =	vld [tilespmem:s4+$0x80];
	_ =	sdelay $0x1  }
0x126: {  	v41 =	vld [tilespmem:s4+$0x100]  }
0x127: {  	v6 =	vmul.f32 v10, v6  }
0x128: {  	v10 =	vld [tilespmem:s4+$0x180]  }
0x129: {  	v7 =	vmul.f32 v11, v7;
	v6 =	vadd.f32 $0.0e+00, v6  }
0x12a: {  	v11 =	vld [tilespmem:s4+$0x200]  }
0x12b: {  	v4 =	vmul.f32 v41, v4;
	v6 =	vadd.f32 v7, v6  }
0x12c: {  	v7 =	vld [tilespmem:s4+$0x280]  }
0x12d: {  	v2 =	vmul.f32 v10, v2;
	v4 =	vadd.f32 v4, v6  }
0x12e: {  	v6 =	vld [tilespmem:s4+$0x300]  }
0x12f: {  	v3 =	vmul.f32 v11, v3;
	v2 =	vadd.f32 v2, v4  }
0x130: {  	v4 =	vld [tilespmem:s4+$0x380]  }
0x131: {  	v2 =	vadd.f32 v3, v2;
	v3 =	vmul.f32 v7, v5;
	_ =	sdelay $0x1  }
0x132: {  	v2 =	vadd.f32 v3, v2;
	v3 =	vmul.f32 v6, v8;
	_ =	sdelay $0x1  }
0x133: {  	v2 =	vadd.f32 v3, v2;
	v3 =	vmul.f32 v4, v9  }
0x134: {  	s20 =	sshll.u32 s6, $0xD  }
0x135: {  	s1 =	sor.u32 s10, s20;
	v2 =	vadd.f32 v3, v2  }
0x136: {  	s21 =	rddreg [dreg:$0x3];
	s2 =	sor.u32 s24, s3;
	s6 =	sshrl.u32 s1, $0x3  }
0x137: {  	s3 =	simm.s32 $0x4100;
	s1 =	sadd.s32 s21, s6;
	[tilespmem:s2+$0x0] =	vst v2  }
0x138: {  	[hbm4b:s1+s19] =	stream.strided.scatter [tilespmem:s3], [sflag:$0x4], $0x400, s30, s19, $0x38;
	[tilespmem:$0x4500] =	vst v63  }
0x139: {  	_ =	swait.ge [sflag:s18], $0x400  }
0x13a: {  	[sflag:s18] =	ssyncset.done $0x0  }
0x13b: {  	[sflag:s18] =	ssyncadd.s32 $0xFFFFFC00  }
0x13c: {  	s4 =	simm.s32 $0x0;
	_ =	swait.ge [sflag:s31], $0x2000  }
0x13d: {  	s22 =	sand.u32 $0x1C00, s4;
	[sflag:s31] =	ssyncset.done $0x0  }
0x13e: {  	s2 =	sand.u32 $0x40, s4;
	s1 =	sor.u32 $0x2100, s22;
	[sflag:s31] =	ssyncadd.s32 $0xFFFFE000  }
0x13f: {  	s23 =	sor.u32 s2, s1;
	v6 =	vld [tilespmem:$0x80]  }
0x140: {  	v3 =	vld [tilespmem:s23+$0x0]  }
0x141: {  	v7 =	vld [tilespmem:$0x90]  }
0x142: {  	v5 =	vld [tilespmem:s23+$0x80]  }
0x143: {  	v4 =	vld [tilespmem:$0xA0]  }
0x144: {  	v8 =	vld [tilespmem:s23+$0x100]  }
0x145: {  	v2 =	vld [tilespmem:$0xB0];
	v9 =	vmul.f32 v3, v6  }
0x146: {  	v10 =	vld [tilespmem:s23+$0x180]  }
0x147: {  	v42 =	vld [tilespmem:s23+$0x200];
	v11 =	vmul.f32 v5, v7;
	v9 =	vadd.f32 $0.0e+00, v9  }
0x148: {  	v3 =	vld [tilespmem:$0xC0]  }
0x149: {  	v43 =	vld [tilespmem:s23+$0x280];
	v9 =	vadd.f32 v11, v9;
	v11 =	vmul.f32 v8, v4  }
0x14a: {  	v5 =	vld [tilespmem:$0xD0]  }
0x14b: {  	v44 =	vld [tilespmem:s23+$0x300];
	v10 =	vmul.f32 v10, v2;
	v11 =	vadd.f32 v11, v9  }
0x14c: {  	v8 =	vld [tilespmem:$0xE0]  }
0x14d: {  	v45 =	vld [tilespmem:s23+$0x380];
	v10 =	vadd.f32 v10, v11;
	v11 =	vmul.f32 v42, v3  }
0x14e: {  	v9 =	vld [tilespmem:$0xF0]  }
0x14f: {  	v10 =	vadd.f32 v11, v10;
	v11 =	vmul.f32 v43, v5;
	_ =	sdelay $0x1  }
0x150: {  	v10 =	vadd.f32 v11, v10;
	v11 =	vmul.f32 v44, v8;
	_ =	sdelay $0x1  }
0x151: {  	v10 =	vadd.f32 v11, v10;
	v11 =	vmul.f32 v45, v9;
	_ =	sdelay $0x1  }
0x152: {  	v10 =	vadd.f32 v11, v10  }
0x153: {  	s24 =	sor.u32 $0x10, s2  }
0x154: {  	s21 =	sor.u32 s24, s1;
	[tilespmem:s3+$0x0] =	vst v10  }
0x155: {  	v10 =	vld [tilespmem:s21+$0x0];
	_ =	sdelay $0x1  }
0x156: {  	v11 =	vld [tilespmem:s21+$0x80];
	_ =	sdelay $0x1  }
0x157: {  	v46 =	vld [tilespmem:s21+$0x100]  }
0x158: {  	v10 =	vmul.f32 v10, v6  }
0x159: {  	v47 =	vld [tilespmem:s21+$0x180]  }
0x15a: {  	v11 =	vmul.f32 v11, v7;
	v10 =	vadd.f32 $0.0e+00, v10  }
0x15b: {  	v48 =	vld [tilespmem:s21+$0x200]  }
0x15c: {  	v10 =	vadd.f32 v11, v10;
	v11 =	vmul.f32 v46, v4  }
0x15d: {  	v49 =	vld [tilespmem:s21+$0x280]  }
0x15e: {  	v10 =	vadd.f32 v11, v10;
	v11 =	vmul.f32 v47, v2  }
0x15f: {  	v50 =	vld [tilespmem:s21+$0x300]  }
0x160: {  	v10 =	vadd.f32 v11, v10;
	v11 =	vmul.f32 v48, v3  }
0x161: {  	v51 =	vld [tilespmem:s21+$0x380]  }
0x162: {  	v10 =	vadd.f32 v11, v10;
	v11 =	vmul.f32 v49, v5;
	_ =	sdelay $0x1  }
0x163: {  	v10 =	vadd.f32 v11, v10;
	v11 =	vmul.f32 v50, v8;
	_ =	sdelay $0x1  }
0x164: {  	v10 =	vadd.f32 v11, v10;
	v11 =	vmul.f32 v51, v9  }
0x165: {  	s4 =	sand.u32 $0x380, s4  }
0x166: {  	s22 =	sadd.s32 $0x4100, s4;
	v10 =	vadd.f32 v11, v10  }
0x167: {  	s4 =	sor.u32 s24, s22;
	s23 =	sor.u32 $0x20, s2  }
0x168: {  	s24 =	sor.u32 s23, s1;
	[tilespmem:s4+$0x0] =	vst v10  }
0x169: {  	v10 =	vld [tilespmem:s24+$0x0];
	_ =	sdelay $0x1  }
0x16a: {  	v11 =	vld [tilespmem:s24+$0x80];
	_ =	sdelay $0x1  }
0x16b: {  	v52 =	vld [tilespmem:s24+$0x100]  }
0x16c: {  	v10 =	vmul.f32 v10, v6  }
0x16d: {  	v53 =	vld [tilespmem:s24+$0x180]  }
0x16e: {  	v11 =	vmul.f32 v11, v7;
	v10 =	vadd.f32 $0.0e+00, v10  }
0x16f: {  	v54 =	vld [tilespmem:s24+$0x200]  }
0x170: {  	v10 =	vadd.f32 v11, v10;
	v11 =	vmul.f32 v52, v4  }
0x171: {  	v55 =	vld [tilespmem:s24+$0x280]  }
0x172: {  	v10 =	vadd.f32 v11, v10;
	v11 =	vmul.f32 v53, v2  }
0x173: {  	v56 =	vld [tilespmem:s24+$0x300]  }
0x174: {  	v10 =	vadd.f32 v11, v10;
	v11 =	vmul.f32 v54, v3  }
0x175: {  	v57 =	vld [tilespmem:s24+$0x380]  }
0x176: {  	v10 =	vadd.f32 v11, v10;
	v11 =	vmul.f32 v55, v5;
	_ =	sdelay $0x1  }
0x177: {  	v10 =	vadd.f32 v11, v10;
	v11 =	vmul.f32 v56, v8;
	_ =	sdelay $0x1  }
0x178: {  	v10 =	vadd.f32 v11, v10;
	v11 =	vmul.f32 v57, v9;
	_ =	sdelay $0x1  }
0x179: {  	v10 =	vadd.f32 v11, v10  }
0x17a: {  	s21 =	sor.u32 s23, s22;
	s23 =	sor.u32 $0x30, s2  }
0x17b: {  	s1 =	sor.u32 s23, s1;
	[tilespmem:s21+$0x0] =	vst v10  }
0x17c: {  	v10 =	vld [tilespmem:s1+$0x0];
	_ =	sdelay $0x1  }
0x17d: {  	v11 =	vld [tilespmem:s1+$0x80];
	_ =	sdelay $0x1  }
0x17e: {  	v58 =	vld [tilespmem:s1+$0x100]  }
0x17f: {  	v10 =	vmul.f32 v10, v6  }
0x180: {  	v59 =	vld [tilespmem:s1+$0x180]  }
0x181: {  	v11 =	vmul.f32 v11, v7;
	v10 =	vadd.f32 $0.0e+00, v10  }
0x182: {  	v60 =	vld [tilespmem:s1+$0x200]  }
0x183: {  	v10 =	vadd.f32 v11, v10;
	v11 =	vmul.f32 v58, v4  }
0x184: {  	v61 =	vld [tilespmem:s1+$0x280]  }
0x185: {  	v10 =	vadd.f32 v11, v10;
	v11 =	vmul.f32 v59, v2  }
0x186: {  	v62 =	vld [tilespmem:s1+$0x300]  }
0x187: {  	v10 =	vadd.f32 v11, v10;
	v11 =	vmul.f32 v60, v3  }
0x188: {  	v63 =	vld [tilespmem:s1+$0x380]  }
0x189: {  	v10 =	vadd.f32 v11, v10;
	v11 =	vmul.f32 v61, v5;
	_ =	sdelay $0x1  }
0x18a: {  	v10 =	vadd.f32 v11, v10;
	v11 =	vmul.f32 v62, v8;
	_ =	sdelay $0x1  }
0x18b: {  	v10 =	vadd.f32 v11, v10;
	v11 =	vmul.f32 v63, v9  }
0x18c: {  	s20 =	simm.s32 $0x200  }
0x18d: {  	s22 =	sor.u32 s23, s22;
	s4 =	simm.s32 $0x40;
	s24 =	sand.u32 $0x1C00, s20;
	v10 =	vadd.f32 v11, v10  }
0x18e: {  	s2 =	sand.u32 $0x40, s4;
	s21 =	simm.s32 $0x4;
	s1 =	sor.u32 $0x2100, s24  }
.LBB2_6:
0x18f: {  	s21 =	sadd.s32 $0x4, s21;
	s23 =	sor.u32 s2, s1;
	[tilespmem:s22+$0x0] =	vst v10;
	s3 =	sadd.s32 $0x40, s3  }
0x190: {  	p0 =	slt.u32 s21, $0x3C;
	v10 =	vld [tilespmem:s23+$0x0];
	_ =	sdelay $0x1  }
0x191: {  	v11 =	vld [tilespmem:s23+$0x80];
	_ =	sdelay $0x1  }
0x192: {  	v12 =	vld [tilespmem:s23+$0x100]  }
0x193: {  	v10 =	vmul.f32 v10, v6  }
0x194: {  	v13 =	vld [tilespmem:s23+$0x180]  }
0x195: {  	v10 =	vadd.f32 $0.0e+00, v10;
	v11 =	vmul.f32 v11, v7  }
0x196: {  	v14 =	vld [tilespmem:s23+$0x200]  }
0x197: {  	v10 =	vadd.f32 v11, v10;
	v11 =	vmul.f32 v12, v4  }
0x198: {  	v12 =	vld [tilespmem:s23+$0x280]  }
0x199: {  	v10 =	vadd.f32 v11, v10;
	v11 =	vmul.f32 v13, v2  }
0x19a: {  	v13 =	vld [tilespmem:s23+$0x300]  }
0x19b: {  	v10 =	vadd.f32 v11, v10;
	v11 =	vmul.f32 v14, v3  }
0x19c: {  	v14 =	vld [tilespmem:s23+$0x380]  }
0x19d: {  	v10 =	vadd.f32 v11, v10;
	v11 =	vmul.f32 v12, v5;
	_ =	sdelay $0x1  }
0x19e: {  	v10 =	vadd.f32 v11, v10;
	v11 =	vmul.f32 v13, v8;
	_ =	sdelay $0x1  }
0x19f: {  	v10 =	vadd.f32 v11, v10;
	v11 =	vmul.f32 v14, v9;
	_ =	sdelay $0x1  }
0x1a0: {  	v10 =	vadd.f32 v11, v10  }
0x1a1: {  	s23 =	sor.u32 $0x10, s2  }
0x1a2: {  	s22 =	sor.u32 s23, s1;
	[tilespmem:s3+$0x0] =	vst v10  }
0x1a3: {  	v10 =	vld [tilespmem:s22+$0x0];
	_ =	sdelay $0x1  }
0x1a4: {  	v11 =	vld [tilespmem:s22+$0x80];
	_ =	sdelay $0x1  }
0x1a5: {  	v12 =	vld [tilespmem:s22+$0x100]  }
0x1a6: {  	v10 =	vmul.f32 v10, v6  }
0x1a7: {  	v13 =	vld [tilespmem:s22+$0x180]  }
0x1a8: {  	v10 =	vadd.f32 $0.0e+00, v10;
	v11 =	vmul.f32 v11, v7  }
0x1a9: {  	v14 =	vld [tilespmem:s22+$0x200]  }
0x1aa: {  	v10 =	vadd.f32 v11, v10;
	v11 =	vmul.f32 v12, v4  }
0x1ab: {  	v12 =	vld [tilespmem:s22+$0x280]  }
0x1ac: {  	v10 =	vadd.f32 v11, v10;
	v11 =	vmul.f32 v13, v2  }
0x1ad: {  	v13 =	vld [tilespmem:s22+$0x300]  }
0x1ae: {  	v10 =	vadd.f32 v11, v10;
	v11 =	vmul.f32 v14, v3  }
0x1af: {  	v14 =	vld [tilespmem:s22+$0x380]  }
0x1b0: {  	v10 =	vadd.f32 v11, v10;
	v11 =	vmul.f32 v12, v5;
	_ =	sdelay $0x1  }
0x1b1: {  	v10 =	vadd.f32 v11, v10;
	v11 =	vmul.f32 v13, v8;
	_ =	sdelay $0x1  }
0x1b2: {  	v10 =	vadd.f32 v11, v10;
	v11 =	vmul.f32 v14, v9  }
0x1b3: {  	s22 =	sand.u32 $0x380, s4  }
0x1b4: {  	s22 =	sadd.s32 $0x4100, s22;
	v10 =	vadd.f32 v11, v10  }
0x1b5: {  	s24 =	sor.u32 $0x20, s2;
	s23 =	sor.u32 s23, s22  }
0x1b6: {  	[tilespmem:s23+$0x0] =	vst v10;
	s23 =	sor.u32 s24, s1  }
0x1b7: {  	v10 =	vld [tilespmem:s23+$0x0];
	_ =	sdelay $0x1  }
0x1b8: {  	v11 =	vld [tilespmem:s23+$0x80];
	_ =	sdelay $0x1  }
0x1b9: {  	v12 =	vld [tilespmem:s23+$0x100]  }
0x1ba: {  	v10 =	vmul.f32 v10, v6  }
0x1bb: {  	v13 =	vld [tilespmem:s23+$0x180]  }
0x1bc: {  	v10 =	vadd.f32 $0.0e+00, v10;
	v11 =	vmul.f32 v11, v7  }
0x1bd: {  	v14 =	vld [tilespmem:s23+$0x200]  }
0x1be: {  	v10 =	vadd.f32 v11, v10;
	v11 =	vmul.f32 v12, v4  }
0x1bf: {  	v12 =	vld [tilespmem:s23+$0x280]  }
0x1c0: {  	v10 =	vadd.f32 v11, v10;
	v11 =	vmul.f32 v13, v2  }
0x1c1: {  	v13 =	vld [tilespmem:s23+$0x300]  }
0x1c2: {  	v10 =	vadd.f32 v11, v10;
	v11 =	vmul.f32 v14, v3  }
0x1c3: {  	v14 =	vld [tilespmem:s23+$0x380]  }
0x1c4: {  	v10 =	vadd.f32 v11, v10;
	v11 =	vmul.f32 v12, v5;
	_ =	sdelay $0x1  }
0x1c5: {  	v10 =	vadd.f32 v11, v10;
	v11 =	vmul.f32 v13, v8;
	_ =	sdelay $0x1  }
0x1c6: {  	v10 =	vadd.f32 v11, v10;
	v11 =	vmul.f32 v14, v9;
	_ =	sdelay $0x1  }
0x1c7: {  	v10 =	vadd.f32 v11, v10  }
0x1c8: {  	s23 =	sor.u32 s24, s22;
	s24 =	sor.u32 $0x30, s2  }
0x1c9: {  	s1 =	sor.u32 s24, s1;
	[tilespmem:s23+$0x0] =	vst v10  }
0x1ca: {  	v10 =	vld [tilespmem:s1+$0x0]  }
0x1cb: {  	v11 =	vld [tilespmem:s1+$0x80]  }
0x1cc: {  	v12 =	vld [tilespmem:s1+$0x100]  }
0x1cd: {  	v13 =	vld [tilespmem:s1+$0x180]  }
0x1ce: {  	v14 =	vld [tilespmem:s1+$0x200]  }
0x1cf: {  	v10 =	vmul.f32 v10, v6;
	v15 =	vld [tilespmem:s1+$0x280]  }
0x1d0: {  	v16 =	vld [tilespmem:s1+$0x300]  }
0x1d1: {  	v11 =	vmul.f32 v11, v7;
	v10 =	vadd.f32 $0.0e+00, v10;
	v17 =	vld [tilespmem:s1+$0x380];
	_ =	sdelay $0x1  }
0x1d2: {  	v10 =	vadd.f32 v11, v10;
	v11 =	vmul.f32 v12, v4;
	_ =	sdelay $0x1  }
0x1d3: {  	v10 =	vadd.f32 v11, v10;
	v11 =	vmul.f32 v13, v2;
	_ =	sdelay $0x1  }
0x1d4: {  	v10 =	vadd.f32 v11, v10;
	v11 =	vmul.f32 v14, v3;
	_ =	sdelay $0x1  }
0x1d5: {  	v10 =	vadd.f32 v11, v10;
	v11 =	vmul.f32 v15, v5;
	_ =	sdelay $0x1  }
0x1d6: {  	v10 =	vadd.f32 v11, v10;
	v11 =	vmul.f32 v16, v8  }
.Ltmp6:
0x1d7: {  	(pc) =	sbr.rel @p0 .LBB2_6-.Ltmp6, $4  }
0x1d8: {  	v10 =	vadd.f32 v11, v10;
	v11 =	vmul.f32 v17, v9  }
0x1d9: {  	s20 =	sadd.s32 $0x200, s20  }
0x1da: {  	s4 =	sadd.s32 $0x40, s4;
	s1 =	sand.u32 $0x1C00, s20;
	v10 =	vadd.f32 v11, v10  }
0x1db: {  	s2 =	sand.u32 $0x40, s4;
	s22 =	sor.u32 s24, s22;
	s1 =	sor.u32 $0x2100, s1  }
0x1dc: {  	s20 =	sor.u32 s2, s1;
	[tilespmem:s22+$0x0] =	vst v10  }
0x1dd: {  	v10 =	vld [tilespmem:s20+$0x0];
	_ =	sdelay $0x1  }
0x1de: {  	v11 =	vld [tilespmem:s20+$0x80];
	_ =	sdelay $0x1  }
0x1df: {  	v12 =	vld [tilespmem:s20+$0x100]  }
0x1e0: {  	v10 =	vmul.f32 v10, v6  }
0x1e1: {  	v13 =	vld [tilespmem:s20+$0x180]  }
0x1e2: {  	v11 =	vmul.f32 v11, v7;
	v10 =	vadd.f32 $0.0e+00, v10  }
0x1e3: {  	v14 =	vld [tilespmem:s20+$0x200]  }
0x1e4: {  	v19 =	vmul.f32 v12, v4;
	v10 =	vadd.f32 v11, v10  }
0x1e5: {  	v20 =	vld [tilespmem:s20+$0x280]  }
0x1e6: {  	v21 =	vmul.f32 v13, v2;
	v10 =	vadd.f32 v19, v10  }
0x1e7: {  	v22 =	vld [tilespmem:s20+$0x300]  }
0x1e8: {  	v23 =	vmul.f32 v14, v3;
	v10 =	vadd.f32 v21, v10  }
0x1e9: {  	v24 =	vld [tilespmem:s20+$0x380]  }
0x1ea: {  	v25 =	vmul.f32 v20, v5;
	v10 =	vadd.f32 v23, v10;
	_ =	sdelay $0x1  }
0x1eb: {  	v26 =	vmul.f32 v22, v8;
	v10 =	vadd.f32 v25, v10;
	_ =	sdelay $0x1  }
0x1ec: {  	v27 =	vmul.f32 v24, v9;
	v10 =	vadd.f32 v26, v10;
	_ =	sdelay $0x1  }
0x1ed: {  	v10 =	vadd.f32 v27, v10  }
0x1ee: {  	s3 =	sadd.s32 $0x40, s3;
	s23 =	sor.u32 $0x10, s2  }
0x1ef: {  	s24 =	sor.u32 s23, s1;
	[tilespmem:s3+$0x0] =	vst v10  }
0x1f0: {  	v10 =	vld [tilespmem:s24+$0x0];
	_ =	sdelay $0x1  }
0x1f1: {  	v28 =	vld [tilespmem:s24+$0x80];
	_ =	sdelay $0x1  }
0x1f2: {  	v29 =	vld [tilespmem:s24+$0x100]  }
0x1f3: {  	v10 =	vmul.f32 v10, v6  }
0x1f4: {  	v30 =	vld [tilespmem:s24+$0x180]  }
0x1f5: {  	v11 =	vmul.f32 v28, v7;
	v10 =	vadd.f32 $0.0e+00, v10  }
0x1f6: {  	v31 =	vld [tilespmem:s24+$0x200]  }
0x1f7: {  	v32 =	vmul.f32 v29, v4;
	v10 =	vadd.f32 v11, v10  }
0x1f8: {  	v33 =	vld [tilespmem:s24+$0x280]  }
0x1f9: {  	v34 =	vmul.f32 v30, v2;
	v10 =	vadd.f32 v32, v10  }
0x1fa: {  	v35 =	vld [tilespmem:s24+$0x300]  }
0x1fb: {  	v36 =	vmul.f32 v31, v3;
	v10 =	vadd.f32 v34, v10  }
0x1fc: {  	v37 =	vld [tilespmem:s24+$0x380]  }
0x1fd: {  	v38 =	vmul.f32 v33, v5;
	v10 =	vadd.f32 v36, v10;
	_ =	sdelay $0x1  }
0x1fe: {  	v39 =	vmul.f32 v35, v8;
	v10 =	vadd.f32 v38, v10;
	_ =	sdelay $0x1  }
0x1ff: {  	v40 =	vmul.f32 v37, v9;
	v10 =	vadd.f32 v39, v10  }
0x200: {  	s21 =	sand.u32 $0x380, s4  }
0x201: {  	s3 =	sadd.s32 $0x4100, s21;
	v10 =	vadd.f32 v40, v10  }
0x202: {  	s22 =	sor.u32 s23, s3;
	s23 =	sor.u32 $0x20, s2  }
0x203: {  	s24 =	sor.u32 s23, s1;
	[tilespmem:s22+$0x0] =	vst v10  }
0x204: {  	v10 =	vld [tilespmem:s24+$0x0];
	_ =	sdelay $0x1  }
0x205: {  	v41 =	vld [tilespmem:s24+$0x80];
	_ =	sdelay $0x1  }
0x206: {  	v42 =	vld [tilespmem:s24+$0x100]  }
0x207: {  	v10 =	vmul.f32 v10, v6  }
0x208: {  	v43 =	vld [tilespmem:s24+$0x180]  }
0x209: {  	v11 =	vmul.f32 v41, v7;
	v10 =	vadd.f32 $0.0e+00, v10  }
0x20a: {  	v44 =	vld [tilespmem:s24+$0x200]  }
0x20b: {  	v45 =	vmul.f32 v42, v4;
	v10 =	vadd.f32 v11, v10  }
0x20c: {  	v46 =	vld [tilespmem:s24+$0x280]  }
0x20d: {  	v47 =	vmul.f32 v43, v2;
	v10 =	vadd.f32 v45, v10  }
0x20e: {  	v48 =	vld [tilespmem:s24+$0x300]  }
0x20f: {  	v49 =	vmul.f32 v44, v3;
	v10 =	vadd.f32 v47, v10  }
0x210: {  	v50 =	vld [tilespmem:s24+$0x380]  }
0x211: {  	v51 =	vmul.f32 v46, v5;
	v10 =	vadd.f32 v49, v10;
	_ =	sdelay $0x1  }
0x212: {  	v52 =	vmul.f32 v48, v8;
	v10 =	vadd.f32 v51, v10;
	_ =	sdelay $0x1  }
0x213: {  	v53 =	vmul.f32 v50, v9;
	v10 =	vadd.f32 v52, v10;
	_ =	sdelay $0x1  }
0x214: {  	v10 =	vadd.f32 v53, v10  }
0x215: {  	s21 =	sor.u32 $0x30, s2;
	s20 =	sor.u32 s23, s3  }
0x216: {  	s22 =	sor.u32 s21, s1;
	[tilespmem:s20+$0x0] =	vst v10  }
0x217: {  	v10 =	vld [tilespmem:s22+$0x0];
	_ =	sdelay $0x1  }
0x218: {  	v54 =	vld [tilespmem:s22+$0x80];
	_ =	sdelay $0x1  }
0x219: {  	v55 =	vld [tilespmem:s22+$0x100]  }
0x21a: {  	v56 =	vmul.f32 v10, v6  }
0x21b: {  	v57 =	vld [tilespmem:s22+$0x180]  }
0x21c: {  	v58 =	vmul.f32 v54, v7;
	v6 =	vadd.f32 $0.0e+00, v56  }
0x21d: {  	v59 =	vld [tilespmem:s22+$0x200]  }
0x21e: {  	v60 =	vmul.f32 v55, v4;
	v6 =	vadd.f32 v58, v6  }
0x21f: {  	v61 =	vld [tilespmem:s22+$0x280]  }
0x220: {  	v2 =	vmul.f32 v57, v2;
	v4 =	vadd.f32 v60, v6  }
0x221: {  	v62 =	vld [tilespmem:s22+$0x300]  }
0x222: {  	v3 =	vmul.f32 v59, v3;
	v2 =	vadd.f32 v2, v4  }
0x223: {  	v63 =	vld [tilespmem:s22+$0x380]  }
0x224: {  	v2 =	vadd.f32 v3, v2;
	v3 =	vmul.f32 v61, v5;
	_ =	sdelay $0x1  }
0x225: {  	v2 =	vadd.f32 v3, v2;
	v3 =	vmul.f32 v62, v8;
	_ =	sdelay $0x1  }
0x226: {  	v2 =	vadd.f32 v3, v2;
	v3 =	vmul.f32 v63, v9;
	_ =	sdelay $0x1  }
0x227: {  	v2 =	vadd.f32 v3, v2  }
0x228: {  	s23 =	sor.u32 s21, s3;
	s24 =	rddreg [dreg:$0x4]  }
.Ltmp7:
0x229: {  	s1 =	sadd.s32 s24, s6;
	[tilespmem:s23+$0x0] =	vst v2;
	(pc) =	sbr.rel .LBB2_8-.Ltmp7, $4  }
0x22a: {  	[hbm4b:s1+s19] =	stream.strided.scatter [tilespmem:s0], [sflag:$0x3], $0x400, s30, s19, $0x38;
	[tilespmem:$0x4500] =	vst v63  }
0x22b: {  	_ =	swait.ge [sflag:s5], $0x400  }
0x22c: {  	[sflag:s5] =	ssyncset.done $0x0  }
0x22d: {  	[sflag:s5] =	ssyncadd.s32 $0xFFFFFC00  }
.LBB2_10:
0x22e: {  	_ =	sfence.sel $0x180000  }
0x22f: {  	[bflag:$0x0] =	sbarrier.arrive $0xFFFF  }
0x230: {  	_ =	strace $0x90000047  }
0x231: {  	s0 =	stileid.u32;
	[bflag:$0x2] =	sbarrier.arrive $0xFFFF  }
0x232: {  	p0 =	sne.s32 s0, $0x0;
	s0 =	rddreg [dreg:$0x5]  }
0x233: {  	s0 =	sadd.s32 @!p0 $0x100000, s0  }
0x234: {  	[sflag:s0] =	ssyncadd.tile.s32 @!p0 $0x1;
	_ =	shalt  }
.Lfunc_end2:
_tile_overlayer_lowered:
.L_overlay_start_2:
0x235: {  	(tag) =	ssettag $0x2  }
0x236: {  	s0 =	rddreg [dreg:$0x0];
	s2 =	stileid.u32  }
0x237: {  	s1 =	rddreg [dreg:$0x1];
	p0 =	sne.s32 s2, $0x0  }
0x238: {  	s3 =	rddreg [dreg:$0x2];
	[bflag:$0x3] =	sbarrier.arrive $0xFFFF;
	s2 =	simm.s32 @!p0 $0x1C03  }
0x239: {  	[timem:s3], [sflag:s2] =	dma.local @!p0 [hbm:s0], s1  }
0x23a: {  	s0 =	simm.s32 @!p0 $0x3  }
0x23b: {  	_ =	swait.ge @!p0 [sflag:s0], s1  }
0x23c: {  	s1 =	ssub.s32 @!p0 $0x0, s1;
	[sflag:s0] =	ssyncset.done @!p0 $0x0  }
0x23d: {  	[sflag:s0] =	ssyncadd.s32 @!p0 s1  }
0x23e: {  	[bflag:$0x3] =	sbarrier.arrive $0xFFFF  }
0x23f: {  	_ =	shalt  }

</sc_bundles>
